<compile_context>
chip_gen: v7x
topology: tpu7x:2x2x1
jax: 0.10.2.dev20260603
libtpu: 0.0.44.dev20260713+nightly
codegen_flags: <defaults>
</compile_context>

<pallas_src>
import jax
import jax.numpy as jnp
from jax import lax
from jax.experimental import pallas as pl
from jax.experimental.pallas import tpu as pltpu
from jax.experimental.pallas import tpu_sc as plsc

N = 320000
D = 128
S = 10000
S_PAD = 10240
NC = 2
NS = 16
NW = NC * NS
ROWS_PER_TILE = N // NW
SCAT = 80
NLOAD = ROWS_PER_TILE // SCAT
REM = ROWS_PER_TILE - NLOAD * SCAT
NBUF = 4
DL = 3
DS = 1
SEG_PER_TILE = S_PAD // NS


def _sc_body(x_hbm, b_hbm, sums_out, cnts_out, acc, cnt, *rest):
    xb = rest[0:NBUF]
    ix = rest[NBUF:2 * NBUF]
    ones, zc, ixr, onesr = rest[2 * NBUF:2 * NBUF + 4]
    semL = rest[2 * NBUF + 4:3 * NBUF + 4]
    semS = rest[3 * NBUF + 4:4 * NBUF + 4]
    semC = rest[4 * NBUF + 4:5 * NBUF + 4]
    xb0 = xb[0]

    cid = lax.axis_index("c")
    sid = lax.axis_index("s")
    wid = cid * NS + sid
    base = wid * ROWS_PER_TILE

    zsrc = xb[NBUF - 1]

    def _zx(i, _):
        zsrc[i // 8, pl.ds((i % 8) * 16, 16)] = jnp.zeros((16,), jnp.float32)
        return 0
    lax.fori_loop(0, SCAT * 8, _zx, 0)

    def _zc(i, _):
        zc[pl.ds(i * 16, 16)] = jnp.zeros((16,), jnp.float32)
        return 0
    lax.fori_loop(0, SEG_PER_TILE // 16, _zc, 0)

    def _on(i, _):
        ones[pl.ds(i * 16, 16)] = jnp.ones((16,), jnp.float32)
        return 0
    lax.fori_loop(0, SCAT // 16, _on, 0)
    onesr[pl.ds(0, 16)] = jnp.ones((16,), jnp.float32)

    s0 = sid * SEG_PER_TILE
    NZ = SEG_PER_TILE // SCAT
    for k in range(NZ):
        pltpu.async_copy(zsrc, acc.at[pl.ds(s0 + k * SCAT, SCAT)],
                         semS[k % NBUF])
    pltpu.async_copy(zc, cnt.at[pl.ds(s0, SEG_PER_TILE)], semC[0])

    def L_start(j, b):
        r = base + j * SCAT
        pltpu.async_copy(x_hbm.at[pl.ds(r, SCAT)], xb[b], semL[b])
        pltpu.async_copy(b_hbm.at[pl.ds(r, SCAT)], ix[b], semL[b])

    def L_wait(j, b):
        r = base + j * SCAT
        pltpu.make_async_copy(x_hbm.at[pl.ds(r, SCAT)], xb[b], semL[b]).wait()
        pltpu.make_async_copy(b_hbm.at[pl.ds(r, SCAT)], ix[b], semL[b]).wait()

    def S_start(j, b):
        pltpu.async_copy(xb[b], acc.at[ix[b]], semS[b], add=True)
        pltpu.async_copy(ones, cnt.at[ix[b]], semC[b], add=True)

    def S_wait(j, b):
        pltpu.make_async_copy(xb[b], acc.at[ix[b]], semS[b]).wait()
        pltpu.make_async_copy(ones, cnt.at[ix[b]], semC[b]).wait()

    def _line(j):
        b = j % NBUF
        L_wait(j, b)
        S_start(j, b)
        if j - DS >= 0:
            S_wait(j - DS, (j - DS) % NBUF)
        if j + DL <= NLOAD - 1:
            L_start(j + DL, (j + DL) % NBUF)

    for j0 in range(DL):
        L_start(j0, j0 % NBUF)
    for k in range(NZ):
        pltpu.make_async_copy(zsrc, acc.at[pl.ds(s0 + k * SCAT, SCAT)],
                              semS[k % NBUF]).wait()
    pltpu.make_async_copy(zc, cnt.at[pl.ds(s0, SEG_PER_TILE)], semC[0]).wait()
    plsc.subcore_barrier()

    HEAD = NBUF
    TAIL0 = ((NLOAD - DL) // NBUF) * NBUF
    for j0 in range(HEAD):
        _line(j0)

    def _steady(i, _):
        for b in range(NBUF):
            j = NBUF * i + b
            L_wait(j, b)
            S_start(j, b)
            S_wait(j - DS, (b - DS) % NBUF)
            L_start(j + DL, (b + DL) % NBUF)
        return 0
    lax.fori_loop(HEAD // NBUF, TAIL0 // NBUF, _steady, 0)

    for j0 in range(TAIL0, NLOAD):
        _line(j0)
    for j0 in range(NLOAD - DS, NLOAD):
        S_wait(j0, j0 % NBUF)

    if REM:
        rr = base + NLOAD * SCAT
        pltpu.sync_copy(b_hbm.at[pl.ds(rr, REM)], ixr)
        pltpu.sync_copy(x_hbm.at[pl.ds(rr, REM)], xb0.at[pl.ds(0, REM)])
        pltpu.sync_copy(xb0.at[pl.ds(0, REM)], acc.at[ixr], add=True)
        pltpu.sync_copy(onesr, cnt.at[ixr], add=True)
    plsc.subcore_barrier()

    pltpu.sync_copy(acc.at[pl.ds(s0, SEG_PER_TILE)],
                    sums_out.at[cid, pl.ds(s0, SEG_PER_TILE)])
    pltpu.sync_copy(cnt.at[pl.ds(s0, SEG_PER_TILE)],
                    cnts_out.at[cid, pl.ds(s0, SEG_PER_TILE)])


@jax.jit
def _sc_aggregate(x, batch):
    mesh = plsc.VectorSubcoreMesh(core_axis_name="c", subcore_axis_name="s")
    f = pl.kernel(
        _sc_body,
        out_type=(jax.ShapeDtypeStruct((NC, S_PAD, D), jnp.float32),
                  jax.ShapeDtypeStruct((NC, S_PAD), jnp.float32)),
        mesh=mesh,
        scratch_types=[
            pltpu.VMEM_SHARED((S_PAD, D), jnp.float32),
            pltpu.VMEM_SHARED((S_PAD,), jnp.float32),
        ] + [pltpu.VMEM((SCAT, D), jnp.float32)] * NBUF
          + [pltpu.VMEM((SCAT,), jnp.int32)] * NBUF + [
            pltpu.VMEM((SCAT,), jnp.float32),
            pltpu.VMEM((SEG_PER_TILE,), jnp.float32),
            pltpu.VMEM((16,), jnp.int32),
            pltpu.VMEM((16,), jnp.float32),
        ] + [pltpu.SemaphoreType.DMA] * (3 * NBUF),
    )
    return f(x, batch)


BLK = 2000


def _fin_body(sums_ref, cnts_ref, y_ref, w_ref, b_ref, o_ref):
    s = sums_ref[0] + sums_ref[1]
    cnt = cnts_ref[:, 0:1] + cnts_ref[:, 1:2]
    ctx = jnp.dot(y_ref[...], w_ref[...].T,
                  preferred_element_type=jnp.float32) + b_ref[...]
    mean = s / jnp.maximum(cnt, 1.0)
    o_ref[...] = mean + jnp.where(cnt > 0.0, ctx, 0.0)


@jax.jit
def _finalize(sums, cnts_t, y2, W_c, b2):
    return pl.pallas_call(
        _fin_body,
        grid=(S // BLK,),
        in_specs=[
            pl.BlockSpec((NC, BLK, D), lambda i: (0, i, 0)),
            pl.BlockSpec((BLK, NC), lambda i: (i, 0)),
            pl.BlockSpec((1, D), lambda i: (0, 0)),
            pl.BlockSpec((D, D), lambda i: (0, 0)),
            pl.BlockSpec((1, D), lambda i: (0, 0)),
        ],
        out_specs=pl.BlockSpec((BLK, D), lambda i: (i, 0)),
        out_shape=jax.ShapeDtypeStruct((S, D), jnp.float32),
    )(sums, cnts_t, y2, W_c, b2)


def kernel(x, y, batch, W_c, b_c):
    batch32 = batch.astype(jnp.int32)
    sums, cnts = _sc_aggregate(x, batch32)
    return _finalize(sums, cnts.T, y.reshape(1, D), W_c, b_c.reshape(1, D))

# --- scband reference (transcript-rebuilt; emitter-appended) ---
"""Pipeline reference for scband-mean-aggr-45423574122642 (READ-ONLY COPY).

The authoritative reference and input builder live on the scoring server;
editing this copy changes nothing except your own understanding.
"""

import jax, jax.numpy as jnp
import numpy as np

NUM_SEGMENTS = 10000


def setup_inputs(seed: int = 0) -> dict:
    key = jax.random.key(seed)
    k1, k2, k3, k4, k5 = jax.random.split(key, 5)
    N, D = 320000, 128
    x = jax.random.normal(k1, (N, D), dtype=jnp.float32)
    y = jax.random.normal(k2, (D,), dtype=jnp.float32)
    batch = jnp.sort(jax.random.randint(k3, (N,), 0, NUM_SEGMENTS, dtype=jnp.int64))
    # LazyLinear(embed_dim=128) infers in_features=128 from y
    W_c = jax.random.normal(k4, (128, 128), dtype=jnp.float32) * (1.0 / np.sqrt(128.0))
    b_c = jax.random.normal(k5, (128,), dtype=jnp.float32) * 0.01
    return {"x": x, "y": y, "batch": batch, "W_c": W_c, "b_c": b_c}


def reference(x, y, batch, W_c, b_c):
    # x = x + lin_c(y).unsqueeze(-2)  -> y is a global context vector [D_in]
    c = jnp.dot(y, W_c.T) + b_c          # [128]
    x = x + c[None, :]                    # broadcast over rows
    # MeanAggregation over segment ids `batch`
    sums = jax.ops.segment_sum(x, batch, num_segments=NUM_SEGMENTS)
    counts = jax.ops.segment_sum(jnp.ones((x.shape[0],), dtype=x.dtype), batch, num_segments=NUM_SEGMENTS)
    out = sums / jnp.clip(counts, 1.0, None)[:, None]
    return out

if __name__ == "__main__":
    import jax
    _d = setup_inputs()
    print(jax.jit(kernel)(*tuple(_d.values())))

</pallas_src>

<mosaic_0001>
#map = affine_map<(d0, d1) -> (0, 0)>
#map1 = affine_map<(d0, d1) -> (0)>
#map2 = affine_map<(d0, d1) -> (0, 0, 0)>
module attributes {stable_mosaic.version = 14 : i64} {
  func.func @_sc_body(%arg0: i32, %arg1: i32, %arg2: memref<320000x128xf32, #tpu.memory_space<hbm>>, %arg3: memref<320000xi32, #tpu.memory_space<hbm>>, %arg4: memref<2x10240x128xf32, #tpu.memory_space<hbm>>, %arg5: memref<2x10240xf32, #tpu.memory_space<hbm>>, %arg6: memref<10240x128xf32, #tpu.memory_space<vmem_shared>>, %arg7: memref<10240xf32, #tpu.memory_space<vmem_shared>>, %arg8: memref<80x128xf32, #tpu.memory_space<vmem>>, %arg9: memref<80x128xf32, #tpu.memory_space<vmem>>, %arg10: memref<80x128xf32, #tpu.memory_space<vmem>>, %arg11: memref<80x128xf32, #tpu.memory_space<vmem>>, %arg12: memref<80xi32, #tpu.memory_space<vmem>>, %arg13: memref<80xi32, #tpu.memory_space<vmem>>, %arg14: memref<80xi32, #tpu.memory_space<vmem>>, %arg15: memref<80xi32, #tpu.memory_space<vmem>>, %arg16: memref<80xf32, #tpu.memory_space<vmem>>, %arg17: memref<640xf32, #tpu.memory_space<vmem>>, %arg18: memref<16xi32, #tpu.memory_space<vmem>>, %arg19: memref<16xf32, #tpu.memory_space<vmem>>, %arg20: memref<!tpu.dma_semaphore, #tpu.memory_space<semaphore_mem>>, %arg21: memref<!tpu.dma_semaphore, #tpu.memory_space<semaphore_mem>>, %arg22: memref<!tpu.dma_semaphore, #tpu.memory_space<semaphore_mem>>, %arg23: memref<!tpu.dma_semaphore, #tpu.memory_space<semaphore_mem>>, %arg24: memref<!tpu.dma_semaphore, #tpu.memory_space<semaphore_mem>>, %arg25: memref<!tpu.dma_semaphore, #tpu.memory_space<semaphore_mem>>, %arg26: memref<!tpu.dma_semaphore, #tpu.memory_space<semaphore_mem>>, %arg27: memref<!tpu.dma_semaphore, #tpu.memory_space<semaphore_mem>>, %arg28: memref<!tpu.dma_semaphore, #tpu.memory_space<semaphore_mem>>, %arg29: memref<!tpu.dma_semaphore, #tpu.memory_space<semaphore_mem>>, %arg30: memref<!tpu.dma_semaphore, #tpu.memory_space<semaphore_mem>>, %arg31: memref<!tpu.dma_semaphore, #tpu.memory_space<semaphore_mem>>) attributes {dimension_semantics = [#tpu.dimension_semantics<core_parallel>, #tpu.dimension_semantics<subcore_parallel>], iteration_bounds = array<i64: 2, 16>, scalar_prefetch = 0 : i64, scratch_operands = 26 : i64, tpu.core_type = #tpu.core_type<sc_vector_subcore>, window_params = [{transform_indices = #map}, {transform_indices = #map1}, {transform_indices = #map2}, {transform_indices = #map}]} {
    %mul3A = arith.constant 16 : i32
    %mul3A_0 = arith.muli %arg0, %mul3A : i32
    %add3A = arith.addi %mul3A_0, %arg1 : i32
    %mul3A_1 = arith.constant 10000 : i32
    %mul3A_2 = arith.muli %add3A, %mul3A_1 : i32
    %scan3A = arith.constant 0 : i32
    %scan3A_3 = arith.constant 0 : i32
    %scan3A_4 = arith.constant 640 : i32
    %scan3A_5 = arith.addi %scan3A_3, %scan3A_4 : i32
    %scan3A_6 = arith.constant 1 : i32
    %scan3A_7 = scf.for %scan3A_369 = %scan3A_3 to %scan3A_5 step %scan3A_6 iter_args(%scan3A_370 = %scan3A) -> (i32)  : i32 {
      %broadcast_in_dim3A_371 = arith.constant 0.000000e+00 : f32
      %broadcast_in_dim3A_372 = vector.broadcast %broadcast_in_dim3A_371 : f32 to vector<16xf32>
      %jit3A = arith.constant 8 : i32
      %div3A = arith.divsi %scan3A_369, %jit3A : i32
      %sign3A = arith.constant 0 : i32
      %sign3A_373 = arith.cmpi sgt, %scan3A_369, %sign3A : i32
      %sign3A_374 = arith.extui %sign3A_373 : i1 to i32
      %sign3A_375 = arith.constant 0 : i32
      %sign3A_376 = arith.cmpi slt, %scan3A_369, %sign3A_375 : i32
      %sign3A_377 = arith.extui %sign3A_376 : i1 to i32
      %sign3A_378 = arith.subi %sign3A_374, %sign3A_377 : i32
      %sign3A_379 = arith.constant 0 : i32
      %sign3A_380 = arith.cmpi sgt, %jit3A, %sign3A_379 : i32
      %sign3A_381 = arith.extui %sign3A_380 : i1 to i32
      %sign3A_382 = arith.constant 0 : i32
      %sign3A_383 = arith.cmpi slt, %jit3A, %sign3A_382 : i32
      %sign3A_384 = arith.extui %sign3A_383 : i1 to i32
      %sign3A_385 = arith.subi %sign3A_381, %sign3A_384 : i32
      %ne3A = arith.cmpi ne, %sign3A_378, %sign3A_385 : i32
      %rem3A = arith.remsi %scan3A_369, %jit3A : i32
      %ne3A_386 = arith.constant 0 : i32
      %ne3A_387 = arith.cmpi ne, %rem3A, %ne3A_386 : i32
      %and3A = arith.andi %ne3A, %ne3A_387 : i1
      %sub3A = arith.constant 1 : i32
      %sub3A_388 = arith.subi %div3A, %sub3A : i32
      %select_n3A = arith.select %and3A, %sub3A_388, %div3A : i32
      %jit3A_389 = arith.constant 8 : i32
      %eq3A = arith.constant 0 : i32
      %eq3A_390 = arith.cmpi eq, %jit3A_389, %eq3A : i32
      %jit3A_391 = arith.constant 1 : i32
      %select_n3A_392 = arith.select %eq3A_390, %jit3A_391, %jit3A_389 : i32
      %rem3A_393 = arith.remsi %scan3A_369, %select_n3A_392 : i32
      %ne3A_394 = arith.constant 0 : i32
      %ne3A_395 = arith.cmpi ne, %rem3A_393, %ne3A_394 : i32
      %lt3A = arith.constant 0 : i32
      %lt3A_396 = arith.cmpi slt, %rem3A_393, %lt3A : i32
      %lt3A_397 = arith.constant 0 : i32
      %lt3A_398 = arith.cmpi slt, %select_n3A_392, %lt3A_397 : i32
      %ne3A_399 = arith.xori %lt3A_396, %lt3A_398 : i1
      %and3A_400 = arith.andi %ne3A_399, %ne3A_395 : i1
      %add3A_401 = arith.addi %rem3A_393, %select_n3A_392 : i32
      %select_n3A_402 = arith.select %and3A_400, %add3A_401, %rem3A_393 : i32
      %mul3A_403 = arith.constant 16 : i32
      %mul3A_404 = arith.muli %select_n3A_402, %mul3A_403 : i32
      %swap3A_405 = arith.index_cast %select_n3A : i32 to index
      %swap3A_406 = arith.index_cast %mul3A_404 : i32 to index
      %swap3A_407 = tpu.vector_load %arg11[%swap3A_405, %swap3A_406] {strides = array<i32>} : memref<80x128xf32, #tpu.memory_space<vmem>>, vector<1x16xf32>,
      %swap3A_408 = vector.shape_cast %swap3A_407 : vector<1x16xf32> to vector<16xf32>
      %swap3A_409 = vector.shape_cast %broadcast_in_dim3A_372 : vector<16xf32> to vector<1x16xf32>
      tpu.vector_store %arg11[%swap3A_405, %swap3A_406], %swap3A_409 {strides = array<i32>} : memref<80x128xf32, #tpu.memory_space<vmem>>, vector<1x16xf32>,
      %scan3A_410 = arith.constant 0 : i32
      scf.yield %scan3A_410 : i32
    }
    %scan3A_8 = arith.constant 640 : i32
    %scan3A_9 = arith.constant 0 : i32
    %scan3A_10 = arith.constant 0 : i32
    %scan3A_11 = arith.constant 40 : i32
    %scan3A_12 = arith.addi %scan3A_10, %scan3A_11 : i32
    %scan3A_13 = arith.constant 1 : i32
    %scan3A_14 = scf.for %scan3A_369 = %scan3A_10 to %scan3A_12 step %scan3A_13 iter_args(%scan3A_370 = %scan3A_9) -> (i32)  : i32 {
      %broadcast_in_dim3A_371 = arith.constant 0.000000e+00 : f32
      %broadcast_in_dim3A_372 = vector.broadcast %broadcast_in_dim3A_371 : f32 to vector<16xf32>
      %mul3A_373 = arith.constant 16 : i32
      %mul3A_374 = arith.muli %scan3A_369, %mul3A_373 : i32
      %swap3A_375 = arith.index_cast %mul3A_374 : i32 to index
      %swap3A_376 = tpu.vector_load %arg17[%swap3A_375] {strides = array<i32>} : memref<640xf32, #tpu.memory_space<vmem>>, vector<16xf32>,
      %swap3A_377 = vector.shape_cast %swap3A_376 : vector<16xf32> to vector<16xf32>
      %swap3A_378 = vector.shape_cast %broadcast_in_dim3A_372 : vector<16xf32> to vector<16xf32>
      tpu.vector_store %arg17[%swap3A_375], %swap3A_378 {strides = array<i32>} : memref<640xf32, #tpu.memory_space<vmem>>, vector<16xf32>,
      %scan3A_379 = arith.constant 0 : i32
      scf.yield %scan3A_379 : i32
    }
    %scan3A_15 = arith.constant 40 : i32
    %scan3A_16 = arith.constant 0 : i32
    %scan3A_17 = arith.constant 0 : i32
    %scan3A_18 = arith.constant 5 : i32
    %scan3A_19 = arith.addi %scan3A_17, %scan3A_18 : i32
    %scan3A_20 = arith.constant 1 : i32
    %scan3A_21 = scf.for %scan3A_369 = %scan3A_17 to %scan3A_19 step %scan3A_20 iter_args(%scan3A_370 = %scan3A_16) -> (i32)  : i32 {
      %broadcast_in_dim3A_371 = arith.constant 1.000000e+00 : f32
      %broadcast_in_dim3A_372 = vector.broadcast %broadcast_in_dim3A_371 : f32 to vector<16xf32>
      %mul3A_373 = arith.constant 16 : i32
      %mul3A_374 = arith.muli %scan3A_369, %mul3A_373 : i32
      %swap3A_375 = arith.index_cast %mul3A_374 : i32 to index
      %swap3A_376 = tpu.vector_load %arg16[%swap3A_375] {strides = array<i32>} : memref<80xf32, #tpu.memory_space<vmem>>, vector<16xf32>,
      %swap3A_377 = vector.shape_cast %swap3A_376 : vector<16xf32> to vector<16xf32>
      %swap3A_378 = vector.shape_cast %broadcast_in_dim3A_372 : vector<16xf32> to vector<16xf32>
      tpu.vector_store %arg16[%swap3A_375], %swap3A_378 {strides = array<i32>} : memref<80xf32, #tpu.memory_space<vmem>>, vector<16xf32>,
      %scan3A_379 = arith.constant 0 : i32
      scf.yield %scan3A_379 : i32
    }
    %scan3A_22 = arith.constant 5 : i32
    %broadcast_in_dim3A = arith.constant 1.000000e+00 : f32
    %broadcast_in_dim3A_23 = vector.broadcast %broadcast_in_dim3A : f32 to vector<16xf32>
    %swap3A = arith.constant 0 : index
    %swap3A_24 = tpu.vector_load %arg19[%swap3A] {strides = array<i32>} : memref<16xf32, #tpu.memory_space<vmem>>, vector<16xf32>,
    %swap3A_25 = vector.shape_cast %swap3A_24 : vector<16xf32> to vector<16xf32>
    %swap3A_26 = vector.shape_cast %broadcast_in_dim3A_23 : vector<16xf32> to vector<16xf32>
    tpu.vector_store %arg19[%swap3A], %swap3A_26 {strides = array<i32>} : memref<16xf32, #tpu.memory_space<vmem>>, vector<16xf32>,
    %mul3A_27 = arith.constant 640 : i32
    %mul3A_28 = arith.muli %arg1, %mul3A_27 : i32
    %add3A_29 = arith.constant 0 : i32
    %add3A_30 = arith.addi %mul3A_28, %add3A_29 : i32
    %dma_start3A = arith.constant 0 : i32
    %dma_start3A_31 = tpu.memref_slice %arg6[%add3A_30, %dma_start3A] : memref<10240x128xf32, #tpu.memory_space<vmem_shared>> -> memref<80x128xf32, #tpu.memory_space<vmem_shared>>
    %dma_start3A_32 = arith.constant 0 : i32
    %dma_start3A_33 = tpu.memref_slice %arg6[%add3A_30, %dma_start3A_32] : memref<10240x128xf32, #tpu.memory_space<vmem_shared>> -> memref<80x128xf32, #tpu.memory_space<vmem_shared>>
    tpu.enqueue_dma source(%arg11 : memref<80x128xf32, #tpu.memory_space<vmem>>) target(%dma_start3A_33 : memref<80x128xf32, #tpu.memory_space<vmem_shared>>) target_semaphore(%arg24 : memref<!tpu.dma_semaphore, #tpu.memory_space<semaphore_mem>>)
    %add3A_34 = arith.constant 80 : i32
    %add3A_35 = arith.addi %mul3A_28, %add3A_34 : i32
    %dma_start3A_36 = arith.constant 0 : i32
    %dma_start3A_37 = tpu.memref_slice %arg6[%add3A_35, %dma_start3A_36] : memref<10240x128xf32, #tpu.memory_space<vmem_shared>> -> memref<80x128xf32, #tpu.memory_space<vmem_shared>>
    %dma_start3A_38 = arith.constant 0 : i32
    %dma_start3A_39 = tpu.memref_slice %arg6[%add3A_35, %dma_start3A_38] : memref<10240x128xf32, #tpu.memory_space<vmem_shared>> -> memref<80x128xf32, #tpu.memory_space<vmem_shared>>
    tpu.enqueue_dma source(%arg11 : memref<80x128xf32, #tpu.memory_space<vmem>>) target(%dma_start3A_39 : memref<80x128xf32, #tpu.memory_space<vmem_shared>>) target_semaphore(%arg25 : memref<!tpu.dma_semaphore, #tpu.memory_space<semaphore_mem>>)
    %add3A_40 = arith.constant 160 : i32
    %add3A_41 = arith.addi %mul3A_28, %add3A_40 : i32
    %dma_start3A_42 = arith.constant 0 : i32
    %dma_start3A_43 = tpu.memref_slice %arg6[%add3A_41, %dma_start3A_42] : memref<10240x128xf32, #tpu.memory_space<vmem_shared>> -> memref<80x128xf32, #tpu.memory_space<vmem_shared>>
    %dma_start3A_44 = arith.constant 0 : i32
    %dma_start3A_45 = tpu.memref_slice %arg6[%add3A_41, %dma_start3A_44] : memref<10240x128xf32, #tpu.memory_space<vmem_shared>> -> memref<80x128xf32, #tpu.memory_space<vmem_shared>>
    tpu.enqueue_dma source(%arg11 : memref<80x128xf32, #tpu.memory_space<vmem>>) target(%dma_start3A_45 : memref<80x128xf32, #tpu.memory_space<vmem_shared>>) target_semaphore(%arg26 : memref<!tpu.dma_semaphore, #tpu.memory_space<semaphore_mem>>)
    %add3A_46 = arith.constant 240 : i32
    %add3A_47 = arith.addi %mul3A_28, %add3A_46 : i32
    %dma_start3A_48 = arith.constant 0 : i32
    %dma_start3A_49 = tpu.memref_slice %arg6[%add3A_47, %dma_start3A_48] : memref<10240x128xf32, #tpu.memory_space<vmem_shared>> -> memref<80x128xf32, #tpu.memory_space<vmem_shared>>
    %dma_start3A_50 = arith.constant 0 : i32
    %dma_start3A_51 = tpu.memref_slice %arg6[%add3A_47, %dma_start3A_50] : memref<10240x128xf32, #tpu.memory_space<vmem_shared>> -> memref<80x128xf32, #tpu.memory_space<vmem_shared>>
    tpu.enqueue_dma source(%arg11 : memref<80x128xf32, #tpu.memory_space<vmem>>) target(%dma_start3A_51 : memref<80x128xf32, #tpu.memory_space<vmem_shared>>) target_semaphore(%arg27 : memref<!tpu.dma_semaphore, #tpu.memory_space<semaphore_mem>>)
    %add3A_52 = arith.constant 320 : i32
    %add3A_53 = arith.addi %mul3A_28, %add3A_52 : i32
    %dma_start3A_54 = arith.constant 0 : i32
    %dma_start3A_55 = tpu.memref_slice %arg6[%add3A_53, %dma_start3A_54] : memref<10240x128xf32, #tpu.memory_space<vmem_shared>> -> memref<80x128xf32, #tpu.memory_space<vmem_shared>>
    %dma_start3A_56 = arith.constant 0 : i32
    %dma_start3A_57 = tpu.memref_slice %arg6[%add3A_53, %dma_start3A_56] : memref<10240x128xf32, #tpu.memory_space<vmem_shared>> -> memref<80x128xf32, #tpu.memory_space<vmem_shared>>
    tpu.enqueue_dma source(%arg11 : memref<80x128xf32, #tpu.memory_space<vmem>>) target(%dma_start3A_57 : memref<80x128xf32, #tpu.memory_space<vmem_shared>>) target_semaphore(%arg24 : memref<!tpu.dma_semaphore, #tpu.memory_space<semaphore_mem>>)
    %add3A_58 = arith.constant 400 : i32
    %add3A_59 = arith.addi %mul3A_28, %add3A_58 : i32
    %dma_start3A_60 = arith.constant 0 : i32
    %dma_start3A_61 = tpu.memref_slice %arg6[%add3A_59, %dma_start3A_60] : memref<10240x128xf32, #tpu.memory_space<vmem_shared>> -> memref<80x128xf32, #tpu.memory_space<vmem_shared>>
    %dma_start3A_62 = arith.constant 0 : i32
    %dma_start3A_63 = tpu.memref_slice %arg6[%add3A_59, %dma_start3A_62] : memref<10240x128xf32, #tpu.memory_space<vmem_shared>> -> memref<80x128xf32, #tpu.memory_space<vmem_shared>>
    tpu.enqueue_dma source(%arg11 : memref<80x128xf32, #tpu.memory_space<vmem>>) target(%dma_start3A_63 : memref<80x128xf32, #tpu.memory_space<vmem_shared>>) target_semaphore(%arg25 : memref<!tpu.dma_semaphore, #tpu.memory_space<semaphore_mem>>)
    %add3A_64 = arith.constant 480 : i32
    %add3A_65 = arith.addi %mul3A_28, %add3A_64 : i32
    %dma_start3A_66 = arith.constant 0 : i32
    %dma_start3A_67 = tpu.memref_slice %arg6[%add3A_65, %dma_start3A_66] : memref<10240x128xf32, #tpu.memory_space<vmem_shared>> -> memref<80x128xf32, #tpu.memory_space<vmem_shared>>
    %dma_start3A_68 = arith.constant 0 : i32
    %dma_start3A_69 = tpu.memref_slice %arg6[%add3A_65, %dma_start3A_68] : memref<10240x128xf32, #tpu.memory_space<vmem_shared>> -> memref<80x128xf32, #tpu.memory_space<vmem_shared>>
    tpu.enqueue_dma source(%arg11 : memref<80x128xf32, #tpu.memory_space<vmem>>) target(%dma_start3A_69 : memref<80x128xf32, #tpu.memory_space<vmem_shared>>) target_semaphore(%arg26 : memref<!tpu.dma_semaphore, #tpu.memory_space<semaphore_mem>>)
    %add3A_70 = arith.constant 560 : i32
    %add3A_71 = arith.addi %mul3A_28, %add3A_70 : i32
    %dma_start3A_72 = arith.constant 0 : i32
    %dma_start3A_73 = tpu.memref_slice %arg6[%add3A_71, %dma_start3A_72] : memref<10240x128xf32, #tpu.memory_space<vmem_shared>> -> memref<80x128xf32, #tpu.memory_space<vmem_shared>>
    %dma_start3A_74 = arith.constant 0 : i32
    %dma_start3A_75 = tpu.memref_slice %arg6[%add3A_71, %dma_start3A_74] : memref<10240x128xf32, #tpu.memory_space<vmem_shared>> -> memref<80x128xf32, #tpu.memory_space<vmem_shared>>
    tpu.enqueue_dma source(%arg11 : memref<80x128xf32, #tpu.memory_space<vmem>>) target(%dma_start3A_75 : memref<80x128xf32, #tpu.memory_space<vmem_shared>>) target_semaphore(%arg27 : memref<!tpu.dma_semaphore, #tpu.memory_space<semaphore_mem>>)
    %dma_start3A_76 = tpu.memref_slice %arg7[%mul3A_28] : memref<10240xf32, #tpu.memory_space<vmem_shared>> -> memref<640xf32, #tpu.memory_space<vmem_shared>>
    %dma_start3A_77 = tpu.memref_slice %arg7[%mul3A_28] : memref<10240xf32, #tpu.memory_space<vmem_shared>> -> memref<640xf32, #tpu.memory_space<vmem_shared>>
    tpu.enqueue_dma source(%arg17 : memref<640xf32, #tpu.memory_space<vmem>>) target(%dma_start3A_77 : memref<640xf32, #tpu.memory_space<vmem_shared>>) target_semaphore(%arg28 : memref<!tpu.dma_semaphore, #tpu.memory_space<semaphore_mem>>)
    %add3A_78 = arith.constant 0 : i32
    %add3A_79 = arith.addi %mul3A_2, %add3A_78 : i32
    %dma_start3A_80 = arith.constant 0 : i32
    %dma_start3A_81 = tpu.memref_slice %arg2[%add3A_79, %dma_start3A_80] : memref<320000x128xf32, #tpu.memory_space<hbm>> -> memref<80x128xf32, #tpu.memory_space<hbm>>
    %dma_start3A_82 = arith.constant 0 : i32
    %dma_start3A_83 = tpu.memref_slice %arg2[%add3A_79, %dma_start3A_82] : memref<320000x128xf32, #tpu.memory_space<hbm>> -> memref<80x128xf32, #tpu.memory_space<hbm>>
    tpu.enqueue_dma source(%dma_start3A_83 : memref<80x128xf32, #tpu.memory_space<hbm>>) target(%arg8 : memref<80x128xf32, #tpu.memory_space<vmem>>) target_semaphore(%arg20 : memref<!tpu.dma_semaphore, #tpu.memory_space<semaphore_mem>>)
    %dma_start3A_84 = tpu.memref_slice %arg3[%add3A_79] : memref<320000xi32, #tpu.memory_space<hbm>> -> memref<80xi32, #tpu.memory_space<hbm>>
    %dma_start3A_85 = tpu.memref_slice %arg3[%add3A_79] : memref<320000xi32, #tpu.memory_space<hbm>> -> memref<80xi32, #tpu.memory_space<hbm>>
    tpu.enqueue_dma source(%dma_start3A_85 : memref<80xi32, #tpu.memory_space<hbm>>) target(%arg12 : memref<80xi32, #tpu.memory_space<vmem>>) target_semaphore(%arg20 : memref<!tpu.dma_semaphore, #tpu.memory_space<semaphore_mem>>)
    %add3A_86 = arith.constant 80 : i32
    %add3A_87 = arith.addi %mul3A_2, %add3A_86 : i32
    %dma_start3A_88 = arith.constant 0 : i32
    %dma_start3A_89 = tpu.memref_slice %arg2[%add3A_87, %dma_start3A_88] : memref<320000x128xf32, #tpu.memory_space<hbm>> -> memref<80x128xf32, #tpu.memory_space<hbm>>
    %dma_start3A_90 = arith.constant 0 : i32
    %dma_start3A_91 = tpu.memref_slice %arg2[%add3A_87, %dma_start3A_90] : memref<320000x128xf32, #tpu.memory_space<hbm>> -> memref<80x128xf32, #tpu.memory_space<hbm>>
    tpu.enqueue_dma source(%dma_start3A_91 : memref<80x128xf32, #tpu.memory_space<hbm>>) target(%arg9 : memref<80x128xf32, #tpu.memory_space<vmem>>) target_semaphore(%arg21 : memref<!tpu.dma_semaphore, #tpu.memory_space<semaphore_mem>>)
    %dma_start3A_92 = tpu.memref_slice %arg3[%add3A_87] : memref<320000xi32, #tpu.memory_space<hbm>> -> memref<80xi32, #tpu.memory_space<hbm>>
    %dma_start3A_93 = tpu.memref_slice %arg3[%add3A_87] : memref<320000xi32, #tpu.memory_space<hbm>> -> memref<80xi32, #tpu.memory_space<hbm>>
    tpu.enqueue_dma source(%dma_start3A_93 : memref<80xi32, #tpu.memory_space<hbm>>) target(%arg13 : memref<80xi32, #tpu.memory_space<vmem>>) target_semaphore(%arg21 : memref<!tpu.dma_semaphore, #tpu.memory_space<semaphore_mem>>)
    %add3A_94 = arith.constant 160 : i32
    %add3A_95 = arith.addi %mul3A_2, %add3A_94 : i32
    %dma_start3A_96 = arith.constant 0 : i32
    %dma_start3A_97 = tpu.memref_slice %arg2[%add3A_95, %dma_start3A_96] : memref<320000x128xf32, #tpu.memory_space<hbm>> -> memref<80x128xf32, #tpu.memory_space<hbm>>
    %dma_start3A_98 = arith.constant 0 : i32
    %dma_start3A_99 = tpu.memref_slice %arg2[%add3A_95, %dma_start3A_98] : memref<320000x128xf32, #tpu.memory_space<hbm>> -> memref<80x128xf32, #tpu.memory_space<hbm>>
    tpu.enqueue_dma source(%dma_start3A_99 : memref<80x128xf32, #tpu.memory_space<hbm>>) target(%arg10 : memref<80x128xf32, #tpu.memory_space<vmem>>) target_semaphore(%arg22 : memref<!tpu.dma_semaphore, #tpu.memory_space<semaphore_mem>>)
    %dma_start3A_100 = tpu.memref_slice %arg3[%add3A_95] : memref<320000xi32, #tpu.memory_space<hbm>> -> memref<80xi32, #tpu.memory_space<hbm>>
    %dma_start3A_101 = tpu.memref_slice %arg3[%add3A_95] : memref<320000xi32, #tpu.memory_space<hbm>> -> memref<80xi32, #tpu.memory_space<hbm>>
    tpu.enqueue_dma source(%dma_start3A_101 : memref<80xi32, #tpu.memory_space<hbm>>) target(%arg14 : memref<80xi32, #tpu.memory_space<vmem>>) target_semaphore(%arg22 : memref<!tpu.dma_semaphore, #tpu.memory_space<semaphore_mem>>)
    %add3A_102 = arith.constant 0 : i32
    %add3A_103 = arith.addi %mul3A_28, %add3A_102 : i32
    %dma_wait3A = arith.constant 0 : i32
    %dma_wait3A_104 = tpu.memref_slice %arg6[%add3A_103, %dma_wait3A] : memref<10240x128xf32, #tpu.memory_space<vmem_shared>> -> memref<80x128xf32, #tpu.memory_space<vmem_shared>>
    %dma_wait3A_105 = arith.constant 0 : i32
    %dma_wait3A_106 = tpu.memref_slice %arg6[%add3A_103, %dma_wait3A_105] : memref<10240x128xf32, #tpu.memory_space<vmem_shared>> -> memref<80x128xf32, #tpu.memory_space<vmem_shared>>
    tpu.wait_dma2 semaphore(%arg24 : memref<!tpu.dma_semaphore, #tpu.memory_space<semaphore_mem>>) src(%arg11 : memref<80x128xf32, #tpu.memory_space<vmem>>) dst(%dma_wait3A_106 : memref<80x128xf32, #tpu.memory_space<vmem_shared>>)
    %add3A_107 = arith.constant 80 : i32
    %add3A_108 = arith.addi %mul3A_28, %add3A_107 : i32
    %dma_wait3A_109 = arith.constant 0 : i32
    %dma_wait3A_110 = tpu.memref_slice %arg6[%add3A_108, %dma_wait3A_109] : memref<10240x128xf32, #tpu.memory_space<vmem_shared>> -> memref<80x128xf32, #tpu.memory_space<vmem_shared>>
    %dma_wait3A_111 = arith.constant 0 : i32
    %dma_wait3A_112 = tpu.memref_slice %arg6[%add3A_108, %dma_wait3A_111] : memref<10240x128xf32, #tpu.memory_space<vmem_shared>> -> memref<80x128xf32, #tpu.memory_space<vmem_shared>>
    tpu.wait_dma2 semaphore(%arg25 : memref<!tpu.dma_semaphore, #tpu.memory_space<semaphore_mem>>) src(%arg11 : memref<80x128xf32, #tpu.memory_space<vmem>>) dst(%dma_wait3A_112 : memref<80x128xf32, #tpu.memory_space<vmem_shared>>)
    %add3A_113 = arith.constant 160 : i32
    %add3A_114 = arith.addi %mul3A_28, %add3A_113 : i32
    %dma_wait3A_115 = arith.constant 0 : i32
    %dma_wait3A_116 = tpu.memref_slice %arg6[%add3A_114, %dma_wait3A_115] : memref<10240x128xf32, #tpu.memory_space<vmem_shared>> -> memref<80x128xf32, #tpu.memory_space<vmem_shared>>
    %dma_wait3A_117 = arith.constant 0 : i32
    %dma_wait3A_118 = tpu.memref_slice %arg6[%add3A_114, %dma_wait3A_117] : memref<10240x128xf32, #tpu.memory_space<vmem_shared>> -> memref<80x128xf32, #tpu.memory_space<vmem_shared>>
    tpu.wait_dma2 semaphore(%arg26 : memref<!tpu.dma_semaphore, #tpu.memory_space<semaphore_mem>>) src(%arg11 : memref<80x128xf32, #tpu.memory_space<vmem>>) dst(%dma_wait3A_118 : memref<80x128xf32, #tpu.memory_space<vmem_shared>>)
    %add3A_119 = arith.constant 240 : i32
    %add3A_120 = arith.addi %mul3A_28, %add3A_119 : i32
    %dma_wait3A_121 = arith.constant 0 : i32
    %dma_wait3A_122 = tpu.memref_slice %arg6[%add3A_120, %dma_wait3A_121] : memref<10240x128xf32, #tpu.memory_space<vmem_shared>> -> memref<80x128xf32, #tpu.memory_space<vmem_shared>>
    %dma_wait3A_123 = arith.constant 0 : i32
    %dma_wait3A_124 = tpu.memref_slice %arg6[%add3A_120, %dma_wait3A_123] : memref<10240x128xf32, #tpu.memory_space<vmem_shared>> -> memref<80x128xf32, #tpu.memory_space<vmem_shared>>
    tpu.wait_dma2 semaphore(%arg27 : memref<!tpu.dma_semaphore, #tpu.memory_space<semaphore_mem>>) src(%arg11 : memref<80x128xf32, #tpu.memory_space<vmem>>) dst(%dma_wait3A_124 : memref<80x128xf32, #tpu.memory_space<vmem_shared>>)
    %add3A_125 = arith.constant 320 : i32
    %add3A_126 = arith.addi %mul3A_28, %add3A_125 : i32
    %dma_wait3A_127 = arith.constant 0 : i32
    %dma_wait3A_128 = tpu.memref_slice %arg6[%add3A_126, %dma_wait3A_127] : memref<10240x128xf32, #tpu.memory_space<vmem_shared>> -> memref<80x128xf32, #tpu.memory_space<vmem_shared>>
    %dma_wait3A_129 = arith.constant 0 : i32
    %dma_wait3A_130 = tpu.memref_slice %arg6[%add3A_126, %dma_wait3A_129] : memref<10240x128xf32, #tpu.memory_space<vmem_shared>> -> memref<80x128xf32, #tpu.memory_space<vmem_shared>>
    tpu.wait_dma2 semaphore(%arg24 : memref<!tpu.dma_semaphore, #tpu.memory_space<semaphore_mem>>) src(%arg11 : memref<80x128xf32, #tpu.memory_space<vmem>>) dst(%dma_wait3A_130 : memref<80x128xf32, #tpu.memory_space<vmem_shared>>)
    %add3A_131 = arith.constant 400 : i32
    %add3A_132 = arith.addi %mul3A_28, %add3A_131 : i32
    %dma_wait3A_133 = arith.constant 0 : i32
    %dma_wait3A_134 = tpu.memref_slice %arg6[%add3A_132, %dma_wait3A_133] : memref<10240x128xf32, #tpu.memory_space<vmem_shared>> -> memref<80x128xf32, #tpu.memory_space<vmem_shared>>
    %dma_wait3A_135 = arith.constant 0 : i32
    %dma_wait3A_136 = tpu.memref_slice %arg6[%add3A_132, %dma_wait3A_135] : memref<10240x128xf32, #tpu.memory_space<vmem_shared>> -> memref<80x128xf32, #tpu.memory_space<vmem_shared>>
    tpu.wait_dma2 semaphore(%arg25 : memref<!tpu.dma_semaphore, #tpu.memory_space<semaphore_mem>>) src(%arg11 : memref<80x128xf32, #tpu.memory_space<vmem>>) dst(%dma_wait3A_136 : memref<80x128xf32, #tpu.memory_space<vmem_shared>>)
    %add3A_137 = arith.constant 480 : i32
    %add3A_138 = arith.addi %mul3A_28, %add3A_137 : i32
    %dma_wait3A_139 = arith.constant 0 : i32
    %dma_wait3A_140 = tpu.memref_slice %arg6[%add3A_138, %dma_wait3A_139] : memref<10240x128xf32, #tpu.memory_space<vmem_shared>> -> memref<80x128xf32, #tpu.memory_space<vmem_shared>>
    %dma_wait3A_141 = arith.constant 0 : i32
    %dma_wait3A_142 = tpu.memref_slice %arg6[%add3A_138, %dma_wait3A_141] : memref<10240x128xf32, #tpu.memory_space<vmem_shared>> -> memref<80x128xf32, #tpu.memory_space<vmem_shared>>
    tpu.wait_dma2 semaphore(%arg26 : memref<!tpu.dma_semaphore, #tpu.memory_space<semaphore_mem>>) src(%arg11 : memref<80x128xf32, #tpu.memory_space<vmem>>) dst(%dma_wait3A_142 : memref<80x128xf32, #tpu.memory_space<vmem_shared>>)
    %add3A_143 = arith.constant 560 : i32
    %add3A_144 = arith.addi %mul3A_28, %add3A_143 : i32
    %dma_wait3A_145 = arith.constant 0 : i32
    %dma_wait3A_146 = tpu.memref_slice %arg6[%add3A_144, %dma_wait3A_145] : memref<10240x128xf32, #tpu.memory_space<vmem_shared>> -> memref<80x128xf32, #tpu.memory_space<vmem_shared>>
    %dma_wait3A_147 = arith.constant 0 : i32
    %dma_wait3A_148 = tpu.memref_slice %arg6[%add3A_144, %dma_wait3A_147] : memref<10240x128xf32, #tpu.memory_space<vmem_shared>> -> memref<80x128xf32, #tpu.memory_space<vmem_shared>>
    tpu.wait_dma2 semaphore(%arg27 : memref<!tpu.dma_semaphore, #tpu.memory_space<semaphore_mem>>) src(%arg11 : memref<80x128xf32, #tpu.memory_space<vmem>>) dst(%dma_wait3A_148 : memref<80x128xf32, #tpu.memory_space<vmem_shared>>)
    %dma_wait3A_149 = tpu.memref_slice %arg7[%mul3A_28] : memref<10240xf32, #tpu.memory_space<vmem_shared>> -> memref<640xf32, #tpu.memory_space<vmem_shared>>
    %dma_wait3A_150 = tpu.memref_slice %arg7[%mul3A_28] : memref<10240xf32, #tpu.memory_space<vmem_shared>> -> memref<640xf32, #tpu.memory_space<vmem_shared>>
    tpu.wait_dma2 semaphore(%arg28 : memref<!tpu.dma_semaphore, #tpu.memory_space<semaphore_mem>>) src(%arg17 : memref<640xf32, #tpu.memory_space<vmem>>) dst(%dma_wait3A_150 : memref<640xf32, #tpu.memory_space<vmem_shared>>)
    %barrier3A = arith.constant 0 : index
    tpu.barrier barrier_id(%barrier3A)
    %add3A_151 = arith.constant 0 : i32
    %add3A_152 = arith.addi %mul3A_2, %add3A_151 : i32
    %dma_wait3A_153 = arith.constant 0 : i32
    %dma_wait3A_154 = tpu.memref_slice %arg2[%add3A_152, %dma_wait3A_153] : memref<320000x128xf32, #tpu.memory_space<hbm>> -> memref<80x128xf32, #tpu.memory_space<hbm>>
    %dma_wait3A_155 = arith.constant 0 : i32
    %dma_wait3A_156 = tpu.memref_slice %arg2[%add3A_152, %dma_wait3A_155] : memref<320000x128xf32, #tpu.memory_space<hbm>> -> memref<80x128xf32, #tpu.memory_space<hbm>>
    tpu.wait_dma2 semaphore(%arg20 : memref<!tpu.dma_semaphore, #tpu.memory_space<semaphore_mem>>) src(%dma_wait3A_156 : memref<80x128xf32, #tpu.memory_space<hbm>>) dst(%arg8 : memref<80x128xf32, #tpu.memory_space<vmem>>)
    %dma_wait3A_157 = tpu.memref_slice %arg3[%add3A_152] : memref<320000xi32, #tpu.memory_space<hbm>> -> memref<80xi32, #tpu.memory_space<hbm>>
    %dma_wait3A_158 = tpu.memref_slice %arg3[%add3A_152] : memref<320000xi32, #tpu.memory_space<hbm>> -> memref<80xi32, #tpu.memory_space<hbm>>
    tpu.wait_dma2 semaphore(%arg20 : memref<!tpu.dma_semaphore, #tpu.memory_space<semaphore_mem>>) src(%dma_wait3A_158 : memref<80xi32, #tpu.memory_space<hbm>>) dst(%arg12 : memref<80xi32, #tpu.memory_space<vmem>>)
    %dma_start3A_159 = arith.constant 0 : i32
    %dma_start3A_160 = arith.constant 0 : i32
    %dma_start3A_161 = tpu.memref_slice %arg6[%dma_start3A_159, %dma_start3A_160] : memref<10240x128xf32, #tpu.memory_space<vmem_shared>> -> memref<10240x128xf32, #tpu.memory_space<vmem_shared>>
    tpu.enqueue_indirect_dma source(%arg8 : memref<80x128xf32, #tpu.memory_space<vmem>>) target(%dma_start3A_161 : memref<10240x128xf32, #tpu.memory_space<vmem_shared>>) offsets(%arg12 : memref<80xi32, #tpu.memory_space<vmem>>) semaphore(%arg24 : memref<!tpu.dma_semaphore, #tpu.memory_space<semaphore_mem>>) {add = true}
    %dma_start3A_162 = arith.constant 0 : i32
    %dma_start3A_163 = tpu.memref_slice %arg7[%dma_start3A_162] : memref<10240xf32, #tpu.memory_space<vmem_shared>> -> memref<10240xf32, #tpu.memory_space<vmem_shared>>
    tpu.enqueue_indirect_dma source(%arg16 : memref<80xf32, #tpu.memory_space<vmem>>) target(%dma_start3A_163 : memref<10240xf32, #tpu.memory_space<vmem_shared>>) offsets(%arg12 : memref<80xi32, #tpu.memory_space<vmem>>) semaphore(%arg28 : memref<!tpu.dma_semaphore, #tpu.memory_space<semaphore_mem>>) {add = true}
    %add3A_164 = arith.constant 240 : i32
    %add3A_165 = arith.addi %mul3A_2, %add3A_164 : i32
    %dma_start3A_166 = arith.constant 0 : i32
    %dma_start3A_167 = tpu.memref_slice %arg2[%add3A_165, %dma_start3A_166] : memref<320000x128xf32, #tpu.memory_space<hbm>> -> memref<80x128xf32, #tpu.memory_space<hbm>>
    %dma_start3A_168 = arith.constant 0 : i32
    %dma_start3A_169 = tpu.memref_slice %arg2[%add3A_165, %dma_start3A_168] : memref<320000x128xf32, #tpu.memory_space<hbm>> -> memref<80x128xf32, #tpu.memory_space<hbm>>
    tpu.enqueue_dma source(%dma_start3A_169 : memref<80x128xf32, #tpu.memory_space<hbm>>) target(%arg11 : memref<80x128xf32, #tpu.memory_space<vmem>>) target_semaphore(%arg23 : memref<!tpu.dma_semaphore, #tpu.memory_space<semaphore_mem>>)
    %dma_start3A_170 = tpu.memref_slice %arg3[%add3A_165] : memref<320000xi32, #tpu.memory_space<hbm>> -> memref<80xi32, #tpu.memory_space<hbm>>
    %dma_start3A_171 = tpu.memref_slice %arg3[%add3A_165] : memref<320000xi32, #tpu.memory_space<hbm>> -> memref<80xi32, #tpu.memory_space<hbm>>
    tpu.enqueue_dma source(%dma_start3A_171 : memref<80xi32, #tpu.memory_space<hbm>>) target(%arg15 : memref<80xi32, #tpu.memory_space<vmem>>) target_semaphore(%arg23 : memref<!tpu.dma_semaphore, #tpu.memory_space<semaphore_mem>>)
    %add3A_172 = arith.constant 80 : i32
    %add3A_173 = arith.addi %mul3A_2, %add3A_172 : i32
    %dma_wait3A_174 = arith.constant 0 : i32
    %dma_wait3A_175 = tpu.memref_slice %arg2[%add3A_173, %dma_wait3A_174] : memref<320000x128xf32, #tpu.memory_space<hbm>> -> memref<80x128xf32, #tpu.memory_space<hbm>>
    %dma_wait3A_176 = arith.constant 0 : i32
    %dma_wait3A_177 = tpu.memref_slice %arg2[%add3A_173, %dma_wait3A_176] : memref<320000x128xf32, #tpu.memory_space<hbm>> -> memref<80x128xf32, #tpu.memory_space<hbm>>
    tpu.wait_dma2 semaphore(%arg21 : memref<!tpu.dma_semaphore, #tpu.memory_space<semaphore_mem>>) src(%dma_wait3A_177 : memref<80x128xf32, #tpu.memory_space<hbm>>) dst(%arg9 : memref<80x128xf32, #tpu.memory_space<vmem>>)
    %dma_wait3A_178 = tpu.memref_slice %arg3[%add3A_173] : memref<320000xi32, #tpu.memory_space<hbm>> -> memref<80xi32, #tpu.memory_space<hbm>>
    %dma_wait3A_179 = tpu.memref_slice %arg3[%add3A_173] : memref<320000xi32, #tpu.memory_space<hbm>> -> memref<80xi32, #tpu.memory_space<hbm>>
    tpu.wait_dma2 semaphore(%arg21 : memref<!tpu.dma_semaphore, #tpu.memory_space<semaphore_mem>>) src(%dma_wait3A_179 : memref<80xi32, #tpu.memory_space<hbm>>) dst(%arg13 : memref<80xi32, #tpu.memory_space<vmem>>)
    %dma_start3A_180 = arith.constant 0 : i32
    %dma_start3A_181 = arith.constant 0 : i32
    %dma_start3A_182 = tpu.memref_slice %arg6[%dma_start3A_180, %dma_start3A_181] : memref<10240x128xf32, #tpu.memory_space<vmem_shared>> -> memref<10240x128xf32, #tpu.memory_space<vmem_shared>>
    tpu.enqueue_indirect_dma source(%arg9 : memref<80x128xf32, #tpu.memory_space<vmem>>) target(%dma_start3A_182 : memref<10240x128xf32, #tpu.memory_space<vmem_shared>>) offsets(%arg13 : memref<80xi32, #tpu.memory_space<vmem>>) semaphore(%arg25 : memref<!tpu.dma_semaphore, #tpu.memory_space<semaphore_mem>>) {add = true}
    %dma_start3A_183 = arith.constant 0 : i32
    %dma_start3A_184 = tpu.memref_slice %arg7[%dma_start3A_183] : memref<10240xf32, #tpu.memory_space<vmem_shared>> -> memref<10240xf32, #tpu.memory_space<vmem_shared>>
    tpu.enqueue_indirect_dma source(%arg16 : memref<80xf32, #tpu.memory_space<vmem>>) target(%dma_start3A_184 : memref<10240xf32, #tpu.memory_space<vmem_shared>>) offsets(%arg13 : memref<80xi32, #tpu.memory_space<vmem>>) semaphore(%arg29 : memref<!tpu.dma_semaphore, #tpu.memory_space<semaphore_mem>>) {add = true}
    %dma_wait3A_185 = arith.constant 0 : i32
    %dma_wait3A_186 = arith.constant 0 : i32
    %dma_wait3A_187 = tpu.memref_slice %arg6[%dma_wait3A_185, %dma_wait3A_186] : memref<10240x128xf32, #tpu.memory_space<vmem_shared>> -> memref<10240x128xf32, #tpu.memory_space<vmem_shared>>
    tpu.wait_indirect_dma semaphore(%arg24 : memref<!tpu.dma_semaphore, #tpu.memory_space<semaphore_mem>>) src(%arg8 : memref<80x128xf32, #tpu.memory_space<vmem>>) dst(%dma_wait3A_187 : memref<10240x128xf32, #tpu.memory_space<vmem_shared>>)
    %dma_wait3A_188 = arith.constant 0 : i32
    %dma_wait3A_189 = tpu.memref_slice %arg7[%dma_wait3A_188] : memref<10240xf32, #tpu.memory_space<vmem_shared>> -> memref<10240xf32, #tpu.memory_space<vmem_shared>>
    tpu.wait_indirect_dma semaphore(%arg28 : memref<!tpu.dma_semaphore, #tpu.memory_space<semaphore_mem>>) src(%arg16 : memref<80xf32, #tpu.memory_space<vmem>>) dst(%dma_wait3A_189 : memref<10240xf32, #tpu.memory_space<vmem_shared>>)
    %add3A_190 = arith.constant 320 : i32
    %add3A_191 = arith.addi %mul3A_2, %add3A_190 : i32
    %dma_start3A_192 = arith.constant 0 : i32
    %dma_start3A_193 = tpu.memref_slice %arg2[%add3A_191, %dma_start3A_192] : memref<320000x128xf32, #tpu.memory_space<hbm>> -> memref<80x128xf32, #tpu.memory_space<hbm>>
    %dma_start3A_194 = arith.constant 0 : i32
    %dma_start3A_195 = tpu.memref_slice %arg2[%add3A_191, %dma_start3A_194] : memref<320000x128xf32, #tpu.memory_space<hbm>> -> memref<80x128xf32, #tpu.memory_space<hbm>>
    tpu.enqueue_dma source(%dma_start3A_195 : memref<80x128xf32, #tpu.memory_space<hbm>>) target(%arg8 : memref<80x128xf32, #tpu.memory_space<vmem>>) target_semaphore(%arg20 : memref<!tpu.dma_semaphore, #tpu.memory_space<semaphore_mem>>)
    %dma_start3A_196 = tpu.memref_slice %arg3[%add3A_191] : memref<320000xi32, #tpu.memory_space<hbm>> -> memref<80xi32, #tpu.memory_space<hbm>>
    %dma_start3A_197 = tpu.memref_slice %arg3[%add3A_191] : memref<320000xi32, #tpu.memory_space<hbm>> -> memref<80xi32, #tpu.memory_space<hbm>>
    tpu.enqueue_dma source(%dma_start3A_197 : memref<80xi32, #tpu.memory_space<hbm>>) target(%arg12 : memref<80xi32, #tpu.memory_space<vmem>>) target_semaphore(%arg20 : memref<!tpu.dma_semaphore, #tpu.memory_space<semaphore_mem>>)
    %add3A_198 = arith.constant 160 : i32
    %add3A_199 = arith.addi %mul3A_2, %add3A_198 : i32
    %dma_wait3A_200 = arith.constant 0 : i32
    %dma_wait3A_201 = tpu.memref_slice %arg2[%add3A_199, %dma_wait3A_200] : memref<320000x128xf32, #tpu.memory_space<hbm>> -> memref<80x128xf32, #tpu.memory_space<hbm>>
    %dma_wait3A_202 = arith.constant 0 : i32
    %dma_wait3A_203 = tpu.memref_slice %arg2[%add3A_199, %dma_wait3A_202] : memref<320000x128xf32, #tpu.memory_space<hbm>> -> memref<80x128xf32, #tpu.memory_space<hbm>>
    tpu.wait_dma2 semaphore(%arg22 : memref<!tpu.dma_semaphore, #tpu.memory_space<semaphore_mem>>) src(%dma_wait3A_203 : memref<80x128xf32, #tpu.memory_space<hbm>>) dst(%arg10 : memref<80x128xf32, #tpu.memory_space<vmem>>)
    %dma_wait3A_204 = tpu.memref_slice %arg3[%add3A_199] : memref<320000xi32, #tpu.memory_space<hbm>> -> memref<80xi32, #tpu.memory_space<hbm>>
    %dma_wait3A_205 = tpu.memref_slice %arg3[%add3A_199] : memref<320000xi32, #tpu.memory_space<hbm>> -> memref<80xi32, #tpu.memory_space<hbm>>
    tpu.wait_dma2 semaphore(%arg22 : memref<!tpu.dma_semaphore, #tpu.memory_space<semaphore_mem>>) src(%dma_wait3A_205 : memref<80xi32, #tpu.memory_space<hbm>>) dst(%arg14 : memref<80xi32, #tpu.memory_space<vmem>>)
    %dma_start3A_206 = arith.constant 0 : i32
    %dma_start3A_207 = arith.constant 0 : i32
    %dma_start3A_208 = tpu.memref_slice %arg6[%dma_start3A_206, %dma_start3A_207] : memref<10240x128xf32, #tpu.memory_space<vmem_shared>> -> memref<10240x128xf32, #tpu.memory_space<vmem_shared>>
    tpu.enqueue_indirect_dma source(%arg10 : memref<80x128xf32, #tpu.memory_space<vmem>>) target(%dma_start3A_208 : memref<10240x128xf32, #tpu.memory_space<vmem_shared>>) offsets(%arg14 : memref<80xi32, #tpu.memory_space<vmem>>) semaphore(%arg26 : memref<!tpu.dma_semaphore, #tpu.memory_space<semaphore_mem>>) {add = true}
    %dma_start3A_209 = arith.constant 0 : i32
    %dma_start3A_210 = tpu.memref_slice %arg7[%dma_start3A_209] : memref<10240xf32, #tpu.memory_space<vmem_shared>> -> memref<10240xf32, #tpu.memory_space<vmem_shared>>
    tpu.enqueue_indirect_dma source(%arg16 : memref<80xf32, #tpu.memory_space<vmem>>) target(%dma_start3A_210 : memref<10240xf32, #tpu.memory_space<vmem_shared>>) offsets(%arg14 : memref<80xi32, #tpu.memory_space<vmem>>) semaphore(%arg30 : memref<!tpu.dma_semaphore, #tpu.memory_space<semaphore_mem>>) {add = true}
    %dma_wait3A_211 = arith.constant 0 : i32
    %dma_wait3A_212 = arith.constant 0 : i32
    %dma_wait3A_213 = tpu.memref_slice %arg6[%dma_wait3A_211, %dma_wait3A_212] : memref<10240x128xf32, #tpu.memory_space<vmem_shared>> -> memref<10240x128xf32, #tpu.memory_space<vmem_shared>>
    tpu.wait_indirect_dma semaphore(%arg25 : memref<!tpu.dma_semaphore, #tpu.memory_space<semaphore_mem>>) src(%arg9 : memref<80x128xf32, #tpu.memory_space<vmem>>) dst(%dma_wait3A_213 : memref<10240x128xf32, #tpu.memory_space<vmem_shared>>)
    %dma_wait3A_214 = arith.constant 0 : i32
    %dma_wait3A_215 = tpu.memref_slice %arg7[%dma_wait3A_214] : memref<10240xf32, #tpu.memory_space<vmem_shared>> -> memref<10240xf32, #tpu.memory_space<vmem_shared>>
    tpu.wait_indirect_dma semaphore(%arg29 : memref<!tpu.dma_semaphore, #tpu.memory_space<semaphore_mem>>) src(%arg16 : memref<80xf32, #tpu.memory_space<vmem>>) dst(%dma_wait3A_215 : memref<10240xf32, #tpu.memory_space<vmem_shared>>)
    %add3A_216 = arith.constant 400 : i32
    %add3A_217 = arith.addi %mul3A_2, %add3A_216 : i32
    %dma_start3A_218 = arith.constant 0 : i32
    %dma_start3A_219 = tpu.memref_slice %arg2[%add3A_217, %dma_start3A_218] : memref<320000x128xf32, #tpu.memory_space<hbm>> -> memref<80x128xf32, #tpu.memory_space<hbm>>
    %dma_start3A_220 = arith.constant 0 : i32
    %dma_start3A_221 = tpu.memref_slice %arg2[%add3A_217, %dma_start3A_220] : memref<320000x128xf32, #tpu.memory_space<hbm>> -> memref<80x128xf32, #tpu.memory_space<hbm>>
    tpu.enqueue_dma source(%dma_start3A_221 : memref<80x128xf32, #tpu.memory_space<hbm>>) target(%arg9 : memref<80x128xf32, #tpu.memory_space<vmem>>) target_semaphore(%arg21 : memref<!tpu.dma_semaphore, #tpu.memory_space<semaphore_mem>>)
    %dma_start3A_222 = tpu.memref_slice %arg3[%add3A_217] : memref<320000xi32, #tpu.memory_space<hbm>> -> memref<80xi32, #tpu.memory_space<hbm>>
    %dma_start3A_223 = tpu.memref_slice %arg3[%add3A_217] : memref<320000xi32, #tpu.memory_space<hbm>> -> memref<80xi32, #tpu.memory_space<hbm>>
    tpu.enqueue_dma source(%dma_start3A_223 : memref<80xi32, #tpu.memory_space<hbm>>) target(%arg13 : memref<80xi32, #tpu.memory_space<vmem>>) target_semaphore(%arg21 : memref<!tpu.dma_semaphore, #tpu.memory_space<semaphore_mem>>)
    %add3A_224 = arith.constant 240 : i32
    %add3A_225 = arith.addi %mul3A_2, %add3A_224 : i32
    %dma_wait3A_226 = arith.constant 0 : i32
    %dma_wait3A_227 = tpu.memref_slice %arg2[%add3A_225, %dma_wait3A_226] : memref<320000x128xf32, #tpu.memory_space<hbm>> -> memref<80x128xf32, #tpu.memory_space<hbm>>
    %dma_wait3A_228 = arith.constant 0 : i32
    %dma_wait3A_229 = tpu.memref_slice %arg2[%add3A_225, %dma_wait3A_228] : memref<320000x128xf32, #tpu.memory_space<hbm>> -> memref<80x128xf32, #tpu.memory_space<hbm>>
    tpu.wait_dma2 semaphore(%arg23 : memref<!tpu.dma_semaphore, #tpu.memory_space<semaphore_mem>>) src(%dma_wait3A_229 : memref<80x128xf32, #tpu.memory_space<hbm>>) dst(%arg11 : memref<80x128xf32, #tpu.memory_space<vmem>>)
    %dma_wait3A_230 = tpu.memref_slice %arg3[%add3A_225] : memref<320000xi32, #tpu.memory_space<hbm>> -> memref<80xi32, #tpu.memory_space<hbm>>
    %dma_wait3A_231 = tpu.memref_slice %arg3[%add3A_225] : memref<320000xi32, #tpu.memory_space<hbm>> -> memref<80xi32, #tpu.memory_space<hbm>>
    tpu.wait_dma2 semaphore(%arg23 : memref<!tpu.dma_semaphore, #tpu.memory_space<semaphore_mem>>) src(%dma_wait3A_231 : memref<80xi32, #tpu.memory_space<hbm>>) dst(%arg15 : memref<80xi32, #tpu.memory_space<vmem>>)
    %dma_start3A_232 = arith.constant 0 : i32
    %dma_start3A_233 = arith.constant 0 : i32
    %dma_start3A_234 = tpu.memref_slice %arg6[%dma_start3A_232, %dma_start3A_233] : memref<10240x128xf32, #tpu.memory_space<vmem_shared>> -> memref<10240x128xf32, #tpu.memory_space<vmem_shared>>
    tpu.enqueue_indirect_dma source(%arg11 : memref<80x128xf32, #tpu.memory_space<vmem>>) target(%dma_start3A_234 : memref<10240x128xf32, #tpu.memory_space<vmem_shared>>) offsets(%arg15 : memref<80xi32, #tpu.memory_space<vmem>>) semaphore(%arg27 : memref<!tpu.dma_semaphore, #tpu.memory_space<semaphore_mem>>) {add = true}
    %dma_start3A_235 = arith.constant 0 : i32
    %dma_start3A_236 = tpu.memref_slice %arg7[%dma_start3A_235] : memref<10240xf32, #tpu.memory_space<vmem_shared>> -> memref<10240xf32, #tpu.memory_space<vmem_shared>>
    tpu.enqueue_indirect_dma source(%arg16 : memref<80xf32, #tpu.memory_space<vmem>>) target(%dma_start3A_236 : memref<10240xf32, #tpu.memory_space<vmem_shared>>) offsets(%arg15 : memref<80xi32, #tpu.memory_space<vmem>>) semaphore(%arg31 : memref<!tpu.dma_semaphore, #tpu.memory_space<semaphore_mem>>) {add = true}
    %dma_wait3A_237 = arith.constant 0 : i32
    %dma_wait3A_238 = arith.constant 0 : i32
    %dma_wait3A_239 = tpu.memref_slice %arg6[%dma_wait3A_237, %dma_wait3A_238] : memref<10240x128xf32, #tpu.memory_space<vmem_shared>> -> memref<10240x128xf32, #tpu.memory_space<vmem_shared>>
    tpu.wait_indirect_dma semaphore(%arg26 : memref<!tpu.dma_semaphore, #tpu.memory_space<semaphore_mem>>) src(%arg10 : memref<80x128xf32, #tpu.memory_space<vmem>>) dst(%dma_wait3A_239 : memref<10240x128xf32, #tpu.memory_space<vmem_shared>>)
    %dma_wait3A_240 = arith.constant 0 : i32
    %dma_wait3A_241 = tpu.memref_slice %arg7[%dma_wait3A_240] : memref<10240xf32, #tpu.memory_space<vmem_shared>> -> memref<10240xf32, #tpu.memory_space<vmem_shared>>
    tpu.wait_indirect_dma semaphore(%arg30 : memref<!tpu.dma_semaphore, #tpu.memory_space<semaphore_mem>>) src(%arg16 : memref<80xf32, #tpu.memory_space<vmem>>) dst(%dma_wait3A_241 : memref<10240xf32, #tpu.memory_space<vmem_shared>>)
    %add3A_242 = arith.constant 480 : i32
    %add3A_243 = arith.addi %mul3A_2, %add3A_242 : i32
    %dma_start3A_244 = arith.constant 0 : i32
    %dma_start3A_245 = tpu.memref_slice %arg2[%add3A_243, %dma_start3A_244] : memref<320000x128xf32, #tpu.memory_space<hbm>> -> memref<80x128xf32, #tpu.memory_space<hbm>>
    %dma_start3A_246 = arith.constant 0 : i32
    %dma_start3A_247 = tpu.memref_slice %arg2[%add3A_243, %dma_start3A_246] : memref<320000x128xf32, #tpu.memory_space<hbm>> -> memref<80x128xf32, #tpu.memory_space<hbm>>
    tpu.enqueue_dma source(%dma_start3A_247 : memref<80x128xf32, #tpu.memory_space<hbm>>) target(%arg10 : memref<80x128xf32, #tpu.memory_space<vmem>>) target_semaphore(%arg22 : memref<!tpu.dma_semaphore, #tpu.memory_space<semaphore_mem>>)
    %dma_start3A_248 = tpu.memref_slice %arg3[%add3A_243] : memref<320000xi32, #tpu.memory_space<hbm>> -> memref<80xi32, #tpu.memory_space<hbm>>
    %dma_start3A_249 = tpu.memref_slice %arg3[%add3A_243] : memref<320000xi32, #tpu.memory_space<hbm>> -> memref<80xi32, #tpu.memory_space<hbm>>
    tpu.enqueue_dma source(%dma_start3A_249 : memref<80xi32, #tpu.memory_space<hbm>>) target(%arg14 : memref<80xi32, #tpu.memory_space<vmem>>) target_semaphore(%arg22 : memref<!tpu.dma_semaphore, #tpu.memory_space<semaphore_mem>>)
    %scan3A_250 = arith.constant 0 : i32
    %scan3A_251 = arith.constant 1 : i32
    %scan3A_252 = arith.constant 29 : i32
    %scan3A_253 = arith.addi %scan3A_251, %scan3A_252 : i32
    %scan3A_254 = arith.constant 1 : i32
    %scan3A_255 = scf.for %scan3A_369 = %scan3A_251 to %scan3A_253 step %scan3A_254 iter_args(%scan3A_370 = %scan3A_250) -> (i32)  : i32 {
      %mul3A_371 = arith.constant 4 : i32
      %mul3A_372 = arith.muli %mul3A_371, %scan3A_369 : i32
      %add3A_373 = arith.constant 0 : i32
      %add3A_374 = arith.addi %mul3A_372, %add3A_373 : i32
      %mul3A_375 = arith.constant 80 : i32
      %mul3A_376 = arith.muli %add3A_374, %mul3A_375 : i32
      %add3A_377 = arith.addi %mul3A_2, %mul3A_376 : i32
      %dma_wait3A_378 = arith.constant 0 : i32
      %dma_wait3A_379 = tpu.memref_slice %arg2[%add3A_377, %dma_wait3A_378] : memref<320000x128xf32, #tpu.memory_space<hbm>> -> memref<80x128xf32, #tpu.memory_space<hbm>>
      %dma_wait3A_380 = arith.constant 0 : i32
      %dma_wait3A_381 = tpu.memref_slice %arg2[%add3A_377, %dma_wait3A_380] : memref<320000x128xf32, #tpu.memory_space<hbm>> -> memref<80x128xf32, #tpu.memory_space<hbm>>
      tpu.wait_dma2 semaphore(%arg20 : memref<!tpu.dma_semaphore, #tpu.memory_space<semaphore_mem>>) src(%dma_wait3A_381 : memref<80x128xf32, #tpu.memory_space<hbm>>) dst(%arg8 : memref<80x128xf32, #tpu.memory_space<vmem>>)
      %dma_wait3A_382 = tpu.memref_slice %arg3[%add3A_377] : memref<320000xi32, #tpu.memory_space<hbm>> -> memref<80xi32, #tpu.memory_space<hbm>>
      %dma_wait3A_383 = tpu.memref_slice %arg3[%add3A_377] : memref<320000xi32, #tpu.memory_space<hbm>> -> memref<80xi32, #tpu.memory_space<hbm>>
      tpu.wait_dma2 semaphore(%arg20 : memref<!tpu.dma_semaphore, #tpu.memory_space<semaphore_mem>>) src(%dma_wait3A_383 : memref<80xi32, #tpu.memory_space<hbm>>) dst(%arg12 : memref<80xi32, #tpu.memory_space<vmem>>)
      %dma_start3A_384 = arith.constant 0 : i32
      %dma_start3A_385 = arith.constant 0 : i32
      %dma_start3A_386 = tpu.memref_slice %arg6[%dma_start3A_384, %dma_start3A_385] : memref<10240x128xf32, #tpu.memory_space<vmem_shared>> -> memref<10240x128xf32, #tpu.memory_space<vmem_shared>>
      tpu.enqueue_indirect_dma source(%arg8 : memref<80x128xf32, #tpu.memory_space<vmem>>) target(%dma_start3A_386 : memref<10240x128xf32, #tpu.memory_space<vmem_shared>>) offsets(%arg12 : memref<80xi32, #tpu.memory_space<vmem>>) semaphore(%arg24 : memref<!tpu.dma_semaphore, #tpu.memory_space<semaphore_mem>>) {add = true}
      %dma_start3A_387 = arith.constant 0 : i32
      %dma_start3A_388 = tpu.memref_slice %arg7[%dma_start3A_387] : memref<10240xf32, #tpu.memory_space<vmem_shared>> -> memref<10240xf32, #tpu.memory_space<vmem_shared>>
      tpu.enqueue_indirect_dma source(%arg16 : memref<80xf32, #tpu.memory_space<vmem>>) target(%dma_start3A_388 : memref<10240xf32, #tpu.memory_space<vmem_shared>>) offsets(%arg12 : memref<80xi32, #tpu.memory_space<vmem>>) semaphore(%arg28 : memref<!tpu.dma_semaphore, #tpu.memory_space<semaphore_mem>>) {add = true}
      %sub3A = arith.constant 1 : i32
      %sub3A_389 = arith.subi %add3A_374, %sub3A : i32
      %dma_wait3A_390 = arith.constant 0 : i32
      %dma_wait3A_391 = arith.constant 0 : i32
      %dma_wait3A_392 = tpu.memref_slice %arg6[%dma_wait3A_390, %dma_wait3A_391] : memref<10240x128xf32, #tpu.memory_space<vmem_shared>> -> memref<10240x128xf32, #tpu.memory_space<vmem_shared>>
      tpu.wait_indirect_dma semaphore(%arg27 : memref<!tpu.dma_semaphore, #tpu.memory_space<semaphore_mem>>) src(%arg11 : memref<80x128xf32, #tpu.memory_space<vmem>>) dst(%dma_wait3A_392 : memref<10240x128xf32, #tpu.memory_space<vmem_shared>>)
      %dma_wait3A_393 = arith.constant 0 : i32
      %dma_wait3A_394 = tpu.memref_slice %arg7[%dma_wait3A_393] : memref<10240xf32, #tpu.memory_space<vmem_shared>> -> memref<10240xf32, #tpu.memory_space<vmem_shared>>
      tpu.wait_indirect_dma semaphore(%arg31 : memref<!tpu.dma_semaphore, #tpu.memory_space<semaphore_mem>>) src(%arg16 : memref<80xf32, #tpu.memory_space<vmem>>) dst(%dma_wait3A_394 : memref<10240xf32, #tpu.memory_space<vmem_shared>>)
      %add3A_395 = arith.constant 3 : i32
      %add3A_396 = arith.addi %add3A_374, %add3A_395 : i32
      %mul3A_397 = arith.constant 80 : i32
      %mul3A_398 = arith.muli %add3A_396, %mul3A_397 : i32
      %add3A_399 = arith.addi %mul3A_2, %mul3A_398 : i32
      %dma_start3A_400 = arith.constant 0 : i32
      %dma_start3A_401 = tpu.memref_slice %arg2[%add3A_399, %dma_start3A_400] : memref<320000x128xf32, #tpu.memory_space<hbm>> -> memref<80x128xf32, #tpu.memory_space<hbm>>
      %dma_start3A_402 = arith.constant 0 : i32
      %dma_start3A_403 = tpu.memref_slice %arg2[%add3A_399, %dma_start3A_402] : memref<320000x128xf32, #tpu.memory_space<hbm>> -> memref<80x128xf32, #tpu.memory_space<hbm>>
      tpu.enqueue_dma source(%dma_start3A_403 : memref<80x128xf32, #tpu.memory_space<hbm>>) target(%arg11 : memref<80x128xf32, #tpu.memory_space<vmem>>) target_semaphore(%arg23 : memref<!tpu.dma_semaphore, #tpu.memory_space<semaphore_mem>>)
      %dma_start3A_404 = tpu.memref_slice %arg3[%add3A_399] : memref<320000xi32, #tpu.memory_space<hbm>> -> memref<80xi32, #tpu.memory_space<hbm>>
      %dma_start3A_405 = tpu.memref_slice %arg3[%add3A_399] : memref<320000xi32, #tpu.memory_space<hbm>> -> memref<80xi32, #tpu.memory_space<hbm>>
      tpu.enqueue_dma source(%dma_start3A_405 : memref<80xi32, #tpu.memory_space<hbm>>) target(%arg15 : memref<80xi32, #tpu.memory_space<vmem>>) target_semaphore(%arg23 : memref<!tpu.dma_semaphore, #tpu.memory_space<semaphore_mem>>)
      %mul3A_406 = arith.constant 4 : i32
      %mul3A_407 = arith.muli %mul3A_406, %scan3A_369 : i32
      %add3A_408 = arith.constant 1 : i32
      %add3A_409 = arith.addi %mul3A_407, %add3A_408 : i32
      %mul3A_410 = arith.constant 80 : i32
      %mul3A_411 = arith.muli %add3A_409, %mul3A_410 : i32
      %add3A_412 = arith.addi %mul3A_2, %mul3A_411 : i32
      %dma_wait3A_413 = arith.constant 0 : i32
      %dma_wait3A_414 = tpu.memref_slice %arg2[%add3A_412, %dma_wait3A_413] : memref<320000x128xf32, #tpu.memory_space<hbm>> -> memref<80x128xf32, #tpu.memory_space<hbm>>
      %dma_wait3A_415 = arith.constant 0 : i32
      %dma_wait3A_416 = tpu.memref_slice %arg2[%add3A_412, %dma_wait3A_415] : memref<320000x128xf32, #tpu.memory_space<hbm>> -> memref<80x128xf32, #tpu.memory_space<hbm>>
      tpu.wait_dma2 semaphore(%arg21 : memref<!tpu.dma_semaphore, #tpu.memory_space<semaphore_mem>>) src(%dma_wait3A_416 : memref<80x128xf32, #tpu.memory_space<hbm>>) dst(%arg9 : memref<80x128xf32, #tpu.memory_space<vmem>>)
      %dma_wait3A_417 = tpu.memref_slice %arg3[%add3A_412] : memref<320000xi32, #tpu.memory_space<hbm>> -> memref<80xi32, #tpu.memory_space<hbm>>
      %dma_wait3A_418 = tpu.memref_slice %arg3[%add3A_412] : memref<320000xi32, #tpu.memory_space<hbm>> -> memref<80xi32, #tpu.memory_space<hbm>>
      tpu.wait_dma2 semaphore(%arg21 : memref<!tpu.dma_semaphore, #tpu.memory_space<semaphore_mem>>) src(%dma_wait3A_418 : memref<80xi32, #tpu.memory_space<hbm>>) dst(%arg13 : memref<80xi32, #tpu.memory_space<vmem>>)
      %dma_start3A_419 = arith.constant 0 : i32
      %dma_start3A_420 = arith.constant 0 : i32
      %dma_start3A_421 = tpu.memref_slice %arg6[%dma_start3A_419, %dma_start3A_420] : memref<10240x128xf32, #tpu.memory_space<vmem_shared>> -> memref<10240x128xf32, #tpu.memory_space<vmem_shared>>
      tpu.enqueue_indirect_dma source(%arg9 : memref<80x128xf32, #tpu.memory_space<vmem>>) target(%dma_start3A_421 : memref<10240x128xf32, #tpu.memory_space<vmem_shared>>) offsets(%arg13 : memref<80xi32, #tpu.memory_space<vmem>>) semaphore(%arg25 : memref<!tpu.dma_semaphore, #tpu.memory_space<semaphore_mem>>) {add = true}
      %dma_start3A_422 = arith.constant 0 : i32
      %dma_start3A_423 = tpu.memref_slice %arg7[%dma_start3A_422] : memref<10240xf32, #tpu.memory_space<vmem_shared>> -> memref<10240xf32, #tpu.memory_space<vmem_shared>>
      tpu.enqueue_indirect_dma source(%arg16 : memref<80xf32, #tpu.memory_space<vmem>>) target(%dma_start3A_423 : memref<10240xf32, #tpu.memory_space<vmem_shared>>) offsets(%arg13 : memref<80xi32, #tpu.memory_space<vmem>>) semaphore(%arg29 : memref<!tpu.dma_semaphore, #tpu.memory_space<semaphore_mem>>) {add = true}
      %sub3A_424 = arith.constant 1 : i32
      %sub3A_425 = arith.subi %add3A_409, %sub3A_424 : i32
      %dma_wait3A_426 = arith.constant 0 : i32
      %dma_wait3A_427 = arith.constant 0 : i32
      %dma_wait3A_428 = tpu.memref_slice %arg6[%dma_wait3A_426, %dma_wait3A_427] : memref<10240x128xf32, #tpu.memory_space<vmem_shared>> -> memref<10240x128xf32, #tpu.memory_space<vmem_shared>>
      tpu.wait_indirect_dma semaphore(%arg24 : memref<!tpu.dma_semaphore, #tpu.memory_space<semaphore_mem>>) src(%arg8 : memref<80x128xf32, #tpu.memory_space<vmem>>) dst(%dma_wait3A_428 : memref<10240x128xf32, #tpu.memory_space<vmem_shared>>)
      %dma_wait3A_429 = arith.constant 0 : i32
      %dma_wait3A_430 = tpu.memref_slice %arg7[%dma_wait3A_429] : memref<10240xf32, #tpu.memory_space<vmem_shared>> -> memref<10240xf32, #tpu.memory_space<vmem_shared>>
      tpu.wait_indirect_dma semaphore(%arg28 : memref<!tpu.dma_semaphore, #tpu.memory_space<semaphore_mem>>) src(%arg16 : memref<80xf32, #tpu.memory_space<vmem>>) dst(%dma_wait3A_430 : memref<10240xf32, #tpu.memory_space<vmem_shared>>)
      %add3A_431 = arith.constant 3 : i32
      %add3A_432 = arith.addi %add3A_409, %add3A_431 : i32
      %mul3A_433 = arith.constant 80 : i32
      %mul3A_434 = arith.muli %add3A_432, %mul3A_433 : i32
      %add3A_435 = arith.addi %mul3A_2, %mul3A_434 : i32
      %dma_start3A_436 = arith.constant 0 : i32
      %dma_start3A_437 = tpu.memref_slice %arg2[%add3A_435, %dma_start3A_436] : memref<320000x128xf32, #tpu.memory_space<hbm>> -> memref<80x128xf32, #tpu.memory_space<hbm>>
      %dma_start3A_438 = arith.constant 0 : i32
      %dma_start3A_439 = tpu.memref_slice %arg2[%add3A_435, %dma_start3A_438] : memref<320000x128xf32, #tpu.memory_space<hbm>> -> memref<80x128xf32, #tpu.memory_space<hbm>>
      tpu.enqueue_dma source(%dma_start3A_439 : memref<80x128xf32, #tpu.memory_space<hbm>>) target(%arg8 : memref<80x128xf32, #tpu.memory_space<vmem>>) target_semaphore(%arg20 : memref<!tpu.dma_semaphore, #tpu.memory_space<semaphore_mem>>)
      %dma_start3A_440 = tpu.memref_slice %arg3[%add3A_435] : memref<320000xi32, #tpu.memory_space<hbm>> -> memref<80xi32, #tpu.memory_space<hbm>>
      %dma_start3A_441 = tpu.memref_slice %arg3[%add3A_435] : memref<320000xi32, #tpu.memory_space<hbm>> -> memref<80xi32, #tpu.memory_space<hbm>>
      tpu.enqueue_dma source(%dma_start3A_441 : memref<80xi32, #tpu.memory_space<hbm>>) target(%arg12 : memref<80xi32, #tpu.memory_space<vmem>>) target_semaphore(%arg20 : memref<!tpu.dma_semaphore, #tpu.memory_space<semaphore_mem>>)
      %mul3A_442 = arith.constant 4 : i32
      %mul3A_443 = arith.muli %mul3A_442, %scan3A_369 : i32
      %add3A_444 = arith.constant 2 : i32
      %add3A_445 = arith.addi %mul3A_443, %add3A_444 : i32
      %mul3A_446 = arith.constant 80 : i32
      %mul3A_447 = arith.muli %add3A_445, %mul3A_446 : i32
      %add3A_448 = arith.addi %mul3A_2, %mul3A_447 : i32
      %dma_wait3A_449 = arith.constant 0 : i32
      %dma_wait3A_450 = tpu.memref_slice %arg2[%add3A_448, %dma_wait3A_449] : memref<320000x128xf32, #tpu.memory_space<hbm>> -> memref<80x128xf32, #tpu.memory_space<hbm>>
      %dma_wait3A_451 = arith.constant 0 : i32
      %dma_wait3A_452 = tpu.memref_slice %arg2[%add3A_448, %dma_wait3A_451] : memref<320000x128xf32, #tpu.memory_space<hbm>> -> memref<80x128xf32, #tpu.memory_space<hbm>>
      tpu.wait_dma2 semaphore(%arg22 : memref<!tpu.dma_semaphore, #tpu.memory_space<semaphore_mem>>) src(%dma_wait3A_452 : memref<80x128xf32, #tpu.memory_space<hbm>>) dst(%arg10 : memref<80x128xf32, #tpu.memory_space<vmem>>)
      %dma_wait3A_453 = tpu.memref_slice %arg3[%add3A_448] : memref<320000xi32, #tpu.memory_space<hbm>> -> memref<80xi32, #tpu.memory_space<hbm>>
      %dma_wait3A_454 = tpu.memref_slice %arg3[%add3A_448] : memref<320000xi32, #tpu.memory_space<hbm>> -> memref<80xi32, #tpu.memory_space<hbm>>
      tpu.wait_dma2 semaphore(%arg22 : memref<!tpu.dma_semaphore, #tpu.memory_space<semaphore_mem>>) src(%dma_wait3A_454 : memref<80xi32, #tpu.memory_space<hbm>>) dst(%arg14 : memref<80xi32, #tpu.memory_space<vmem>>)
      %dma_start3A_455 = arith.constant 0 : i32
      %dma_start3A_456 = arith.constant 0 : i32
      %dma_start3A_457 = tpu.memref_slice %arg6[%dma_start3A_455, %dma_start3A_456] : memref<10240x128xf32, #tpu.memory_space<vmem_shared>> -> memref<10240x128xf32, #tpu.memory_space<vmem_shared>>
      tpu.enqueue_indirect_dma source(%arg10 : memref<80x128xf32, #tpu.memory_space<vmem>>) target(%dma_start3A_457 : memref<10240x128xf32, #tpu.memory_space<vmem_shared>>) offsets(%arg14 : memref<80xi32, #tpu.memory_space<vmem>>) semaphore(%arg26 : memref<!tpu.dma_semaphore, #tpu.memory_space<semaphore_mem>>) {add = true}
      %dma_start3A_458 = arith.constant 0 : i32
      %dma_start3A_459 = tpu.memref_slice %arg7[%dma_start3A_458] : memref<10240xf32, #tpu.memory_space<vmem_shared>> -> memref<10240xf32, #tpu.memory_space<vmem_shared>>
      tpu.enqueue_indirect_dma source(%arg16 : memref<80xf32, #tpu.memory_space<vmem>>) target(%dma_start3A_459 : memref<10240xf32, #tpu.memory_space<vmem_shared>>) offsets(%arg14 : memref<80xi32, #tpu.memory_space<vmem>>) semaphore(%arg30 : memref<!tpu.dma_semaphore, #tpu.memory_space<semaphore_mem>>) {add = true}
      %sub3A_460 = arith.constant 1 : i32
      %sub3A_461 = arith.subi %add3A_445, %sub3A_460 : i32
      %dma_wait3A_462 = arith.constant 0 : i32
      %dma_wait3A_463 = arith.constant 0 : i32
      %dma_wait3A_464 = tpu.memref_slice %arg6[%dma_wait3A_462, %dma_wait3A_463] : memref<10240x128xf32, #tpu.memory_space<vmem_shared>> -> memref<10240x128xf32, #tpu.memory_space<vmem_shared>>
      tpu.wait_indirect_dma semaphore(%arg25 : memref<!tpu.dma_semaphore, #tpu.memory_space<semaphore_mem>>) src(%arg9 : memref<80x128xf32, #tpu.memory_space<vmem>>) dst(%dma_wait3A_464 : memref<10240x128xf32, #tpu.memory_space<vmem_shared>>)
      %dma_wait3A_465 = arith.constant 0 : i32
      %dma_wait3A_466 = tpu.memref_slice %arg7[%dma_wait3A_465] : memref<10240xf32, #tpu.memory_space<vmem_shared>> -> memref<10240xf32, #tpu.memory_space<vmem_shared>>
      tpu.wait_indirect_dma semaphore(%arg29 : memref<!tpu.dma_semaphore, #tpu.memory_space<semaphore_mem>>) src(%arg16 : memref<80xf32, #tpu.memory_space<vmem>>) dst(%dma_wait3A_466 : memref<10240xf32, #tpu.memory_space<vmem_shared>>)
      %add3A_467 = arith.constant 3 : i32
      %add3A_468 = arith.addi %add3A_445, %add3A_467 : i32
      %mul3A_469 = arith.constant 80 : i32
      %mul3A_470 = arith.muli %add3A_468, %mul3A_469 : i32
      %add3A_471 = arith.addi %mul3A_2, %mul3A_470 : i32
      %dma_start3A_472 = arith.constant 0 : i32
      %dma_start3A_473 = tpu.memref_slice %arg2[%add3A_471, %dma_start3A_472] : memref<320000x128xf32, #tpu.memory_space<hbm>> -> memref<80x128xf32, #tpu.memory_space<hbm>>
      %dma_start3A_474 = arith.constant 0 : i32
      %dma_start3A_475 = tpu.memref_slice %arg2[%add3A_471, %dma_start3A_474] : memref<320000x128xf32, #tpu.memory_space<hbm>> -> memref<80x128xf32, #tpu.memory_space<hbm>>
      tpu.enqueue_dma source(%dma_start3A_475 : memref<80x128xf32, #tpu.memory_space<hbm>>) target(%arg9 : memref<80x128xf32, #tpu.memory_space<vmem>>) target_semaphore(%arg21 : memref<!tpu.dma_semaphore, #tpu.memory_space<semaphore_mem>>)
      %dma_start3A_476 = tpu.memref_slice %arg3[%add3A_471] : memref<320000xi32, #tpu.memory_space<hbm>> -> memref<80xi32, #tpu.memory_space<hbm>>
      %dma_start3A_477 = tpu.memref_slice %arg3[%add3A_471] : memref<320000xi32, #tpu.memory_space<hbm>> -> memref<80xi32, #tpu.memory_space<hbm>>
      tpu.enqueue_dma source(%dma_start3A_477 : memref<80xi32, #tpu.memory_space<hbm>>) target(%arg13 : memref<80xi32, #tpu.memory_space<vmem>>) target_semaphore(%arg21 : memref<!tpu.dma_semaphore, #tpu.memory_space<semaphore_mem>>)
      %mul3A_478 = arith.constant 4 : i32
      %mul3A_479 = arith.muli %mul3A_478, %scan3A_369 : i32
      %add3A_480 = arith.constant 3 : i32
      %add3A_481 = arith.addi %mul3A_479, %add3A_480 : i32
      %mul3A_482 = arith.constant 80 : i32
      %mul3A_483 = arith.muli %add3A_481, %mul3A_482 : i32
      %add3A_484 = arith.addi %mul3A_2, %mul3A_483 : i32
      %dma_wait3A_485 = arith.constant 0 : i32
      %dma_wait3A_486 = tpu.memref_slice %arg2[%add3A_484, %dma_wait3A_485] : memref<320000x128xf32, #tpu.memory_space<hbm>> -> memref<80x128xf32, #tpu.memory_space<hbm>>
      %dma_wait3A_487 = arith.constant 0 : i32
      %dma_wait3A_488 = tpu.memref_slice %arg2[%add3A_484, %dma_wait3A_487] : memref<320000x128xf32, #tpu.memory_space<hbm>> -> memref<80x128xf32, #tpu.memory_space<hbm>>
      tpu.wait_dma2 semaphore(%arg23 : memref<!tpu.dma_semaphore, #tpu.memory_space<semaphore_mem>>) src(%dma_wait3A_488 : memref<80x128xf32, #tpu.memory_space<hbm>>) dst(%arg11 : memref<80x128xf32, #tpu.memory_space<vmem>>)
      %dma_wait3A_489 = tpu.memref_slice %arg3[%add3A_484] : memref<320000xi32, #tpu.memory_space<hbm>> -> memref<80xi32, #tpu.memory_space<hbm>>
      %dma_wait3A_490 = tpu.memref_slice %arg3[%add3A_484] : memref<320000xi32, #tpu.memory_space<hbm>> -> memref<80xi32, #tpu.memory_space<hbm>>
      tpu.wait_dma2 semaphore(%arg23 : memref<!tpu.dma_semaphore, #tpu.memory_space<semaphore_mem>>) src(%dma_wait3A_490 : memref<80xi32, #tpu.memory_space<hbm>>) dst(%arg15 : memref<80xi32, #tpu.memory_space<vmem>>)
      %dma_start3A_491 = arith.constant 0 : i32
      %dma_start3A_492 = arith.constant 0 : i32
      %dma_start3A_493 = tpu.memref_slice %arg6[%dma_start3A_491, %dma_start3A_492] : memref<10240x128xf32, #tpu.memory_space<vmem_shared>> -> memref<10240x128xf32, #tpu.memory_space<vmem_shared>>
      tpu.enqueue_indirect_dma source(%arg11 : memref<80x128xf32, #tpu.memory_space<vmem>>) target(%dma_start3A_493 : memref<10240x128xf32, #tpu.memory_space<vmem_shared>>) offsets(%arg15 : memref<80xi32, #tpu.memory_space<vmem>>) semaphore(%arg27 : memref<!tpu.dma_semaphore, #tpu.memory_space<semaphore_mem>>) {add = true}
      %dma_start3A_494 = arith.constant 0 : i32
      %dma_start3A_495 = tpu.memref_slice %arg7[%dma_start3A_494] : memref<10240xf32, #tpu.memory_space<vmem_shared>> -> memref<10240xf32, #tpu.memory_space<vmem_shared>>
      tpu.enqueue_indirect_dma source(%arg16 : memref<80xf32, #tpu.memory_space<vmem>>) target(%dma_start3A_495 : memref<10240xf32, #tpu.memory_space<vmem_shared>>) offsets(%arg15 : memref<80xi32, #tpu.memory_space<vmem>>) semaphore(%arg31 : memref<!tpu.dma_semaphore, #tpu.memory_space<semaphore_mem>>) {add = true}
      %sub3A_496 = arith.constant 1 : i32
      %sub3A_497 = arith.subi %add3A_481, %sub3A_496 : i32
      %dma_wait3A_498 = arith.constant 0 : i32
      %dma_wait3A_499 = arith.constant 0 : i32
      %dma_wait3A_500 = tpu.memref_slice %arg6[%dma_wait3A_498, %dma_wait3A_499] : memref<10240x128xf32, #tpu.memory_space<vmem_shared>> -> memref<10240x128xf32, #tpu.memory_space<vmem_shared>>
      tpu.wait_indirect_dma semaphore(%arg26 : memref<!tpu.dma_semaphore, #tpu.memory_space<semaphore_mem>>) src(%arg10 : memref<80x128xf32, #tpu.memory_space<vmem>>) dst(%dma_wait3A_500 : memref<10240x128xf32, #tpu.memory_space<vmem_shared>>)
      %dma_wait3A_501 = arith.constant 0 : i32
      %dma_wait3A_502 = tpu.memref_slice %arg7[%dma_wait3A_501] : memref<10240xf32, #tpu.memory_space<vmem_shared>> -> memref<10240xf32, #tpu.memory_space<vmem_shared>>
      tpu.wait_indirect_dma semaphore(%arg30 : memref<!tpu.dma_semaphore, #tpu.memory_space<semaphore_mem>>) src(%arg16 : memref<80xf32, #tpu.memory_space<vmem>>) dst(%dma_wait3A_502 : memref<10240xf32, #tpu.memory_space<vmem_shared>>)
      %add3A_503 = arith.constant 3 : i32
      %add3A_504 = arith.addi %add3A_481, %add3A_503 : i32
      %mul3A_505 = arith.constant 80 : i32
      %mul3A_506 = arith.muli %add3A_504, %mul3A_505 : i32
      %add3A_507 = arith.addi %mul3A_2, %mul3A_506 : i32
      %dma_start3A_508 = arith.constant 0 : i32
      %dma_start3A_509 = tpu.memref_slice %arg2[%add3A_507, %dma_start3A_508] : memref<320000x128xf32, #tpu.memory_space<hbm>> -> memref<80x128xf32, #tpu.memory_space<hbm>>
      %dma_start3A_510 = arith.constant 0 : i32
      %dma_start3A_511 = tpu.memref_slice %arg2[%add3A_507, %dma_start3A_510] : memref<320000x128xf32, #tpu.memory_space<hbm>> -> memref<80x128xf32, #tpu.memory_space<hbm>>
      tpu.enqueue_dma source(%dma_start3A_511 : memref<80x128xf32, #tpu.memory_space<hbm>>) target(%arg10 : memref<80x128xf32, #tpu.memory_space<vmem>>) target_semaphore(%arg22 : memref<!tpu.dma_semaphore, #tpu.memory_space<semaphore_mem>>)
      %dma_start3A_512 = tpu.memref_slice %arg3[%add3A_507] : memref<320000xi32, #tpu.memory_space<hbm>> -> memref<80xi32, #tpu.memory_space<hbm>>
      %dma_start3A_513 = tpu.memref_slice %arg3[%add3A_507] : memref<320000xi32, #tpu.memory_space<hbm>> -> memref<80xi32, #tpu.memory_space<hbm>>
      tpu.enqueue_dma source(%dma_start3A_513 : memref<80xi32, #tpu.memory_space<hbm>>) target(%arg14 : memref<80xi32, #tpu.memory_space<vmem>>) target_semaphore(%arg22 : memref<!tpu.dma_semaphore, #tpu.memory_space<semaphore_mem>>)
      %scan3A_514 = arith.constant 0 : i32
      scf.yield %scan3A_514 : i32
    }
    %scan3A_256 = arith.constant 29 : i32
    %add3A_257 = arith.constant 9600 : i32
    %add3A_258 = arith.addi %mul3A_2, %add3A_257 : i32
    %dma_wait3A_259 = arith.constant 0 : i32
    %dma_wait3A_260 = tpu.memref_slice %arg2[%add3A_258, %dma_wait3A_259] : memref<320000x128xf32, #tpu.memory_space<hbm>> -> memref<80x128xf32, #tpu.memory_space<hbm>>
    %dma_wait3A_261 = arith.constant 0 : i32
    %dma_wait3A_262 = tpu.memref_slice %arg2[%add3A_258, %dma_wait3A_261] : memref<320000x128xf32, #tpu.memory_space<hbm>> -> memref<80x128xf32, #tpu.memory_space<hbm>>
    tpu.wait_dma2 semaphore(%arg20 : memref<!tpu.dma_semaphore, #tpu.memory_space<semaphore_mem>>) src(%dma_wait3A_262 : memref<80x128xf32, #tpu.memory_space<hbm>>) dst(%arg8 : memref<80x128xf32, #tpu.memory_space<vmem>>)
    %dma_wait3A_263 = tpu.memref_slice %arg3[%add3A_258] : memref<320000xi32, #tpu.memory_space<hbm>> -> memref<80xi32, #tpu.memory_space<hbm>>
    %dma_wait3A_264 = tpu.memref_slice %arg3[%add3A_258] : memref<320000xi32, #tpu.memory_space<hbm>> -> memref<80xi32, #tpu.memory_space<hbm>>
    tpu.wait_dma2 semaphore(%arg20 : memref<!tpu.dma_semaphore, #tpu.memory_space<semaphore_mem>>) src(%dma_wait3A_264 : memref<80xi32, #tpu.memory_space<hbm>>) dst(%arg12 : memref<80xi32, #tpu.memory_space<vmem>>)
    %dma_start3A_265 = arith.constant 0 : i32
    %dma_start3A_266 = arith.constant 0 : i32
    %dma_start3A_267 = tpu.memref_slice %arg6[%dma_start3A_265, %dma_start3A_266] : memref<10240x128xf32, #tpu.memory_space<vmem_shared>> -> memref<10240x128xf32, #tpu.memory_space<vmem_shared>>
    tpu.enqueue_indirect_dma source(%arg8 : memref<80x128xf32, #tpu.memory_space<vmem>>) target(%dma_start3A_267 : memref<10240x128xf32, #tpu.memory_space<vmem_shared>>) offsets(%arg12 : memref<80xi32, #tpu.memory_space<vmem>>) semaphore(%arg24 : memref<!tpu.dma_semaphore, #tpu.memory_space<semaphore_mem>>) {add = true}
    %dma_start3A_268 = arith.constant 0 : i32
    %dma_start3A_269 = tpu.memref_slice %arg7[%dma_start3A_268] : memref<10240xf32, #tpu.memory_space<vmem_shared>> -> memref<10240xf32, #tpu.memory_space<vmem_shared>>
    tpu.enqueue_indirect_dma source(%arg16 : memref<80xf32, #tpu.memory_space<vmem>>) target(%dma_start3A_269 : memref<10240xf32, #tpu.memory_space<vmem_shared>>) offsets(%arg12 : memref<80xi32, #tpu.memory_space<vmem>>) semaphore(%arg28 : memref<!tpu.dma_semaphore, #tpu.memory_space<semaphore_mem>>) {add = true}
    %dma_wait3A_270 = arith.constant 0 : i32
    %dma_wait3A_271 = arith.constant 0 : i32
    %dma_wait3A_272 = tpu.memref_slice %arg6[%dma_wait3A_270, %dma_wait3A_271] : memref<10240x128xf32, #tpu.memory_space<vmem_shared>> -> memref<10240x128xf32, #tpu.memory_space<vmem_shared>>
    tpu.wait_indirect_dma semaphore(%arg27 : memref<!tpu.dma_semaphore, #tpu.memory_space<semaphore_mem>>) src(%arg11 : memref<80x128xf32, #tpu.memory_space<vmem>>) dst(%dma_wait3A_272 : memref<10240x128xf32, #tpu.memory_space<vmem_shared>>)
    %dma_wait3A_273 = arith.constant 0 : i32
    %dma_wait3A_274 = tpu.memref_slice %arg7[%dma_wait3A_273] : memref<10240xf32, #tpu.memory_space<vmem_shared>> -> memref<10240xf32, #tpu.memory_space<vmem_shared>>
    tpu.wait_indirect_dma semaphore(%arg31 : memref<!tpu.dma_semaphore, #tpu.memory_space<semaphore_mem>>) src(%arg16 : memref<80xf32, #tpu.memory_space<vmem>>) dst(%dma_wait3A_274 : memref<10240xf32, #tpu.memory_space<vmem_shared>>)
    %add3A_275 = arith.constant 9840 : i32
    %add3A_276 = arith.addi %mul3A_2, %add3A_275 : i32
    %dma_start3A_277 = arith.constant 0 : i32
    %dma_start3A_278 = tpu.memref_slice %arg2[%add3A_276, %dma_start3A_277] : memref<320000x128xf32, #tpu.memory_space<hbm>> -> memref<80x128xf32, #tpu.memory_space<hbm>>
    %dma_start3A_279 = arith.constant 0 : i32
    %dma_start3A_280 = tpu.memref_slice %arg2[%add3A_276, %dma_start3A_279] : memref<320000x128xf32, #tpu.memory_space<hbm>> -> memref<80x128xf32, #tpu.memory_space<hbm>>
    tpu.enqueue_dma source(%dma_start3A_280 : memref<80x128xf32, #tpu.memory_space<hbm>>) target(%arg11 : memref<80x128xf32, #tpu.memory_space<vmem>>) target_semaphore(%arg23 : memref<!tpu.dma_semaphore, #tpu.memory_space<semaphore_mem>>)
    %dma_start3A_281 = tpu.memref_slice %arg3[%add3A_276] : memref<320000xi32, #tpu.memory_space<hbm>> -> memref<80xi32, #tpu.memory_space<hbm>>
    %dma_start3A_282 = tpu.memref_slice %arg3[%add3A_276] : memref<320000xi32, #tpu.memory_space<hbm>> -> memref<80xi32, #tpu.memory_space<hbm>>
    tpu.enqueue_dma source(%dma_start3A_282 : memref<80xi32, #tpu.memory_space<hbm>>) target(%arg15 : memref<80xi32, #tpu.memory_space<vmem>>) target_semaphore(%arg23 : memref<!tpu.dma_semaphore, #tpu.memory_space<semaphore_mem>>)
    %add3A_283 = arith.constant 9680 : i32
    %add3A_284 = arith.addi %mul3A_2, %add3A_283 : i32
    %dma_wait3A_285 = arith.constant 0 : i32
    %dma_wait3A_286 = tpu.memref_slice %arg2[%add3A_284, %dma_wait3A_285] : memref<320000x128xf32, #tpu.memory_space<hbm>> -> memref<80x128xf32, #tpu.memory_space<hbm>>
    %dma_wait3A_287 = arith.constant 0 : i32
    %dma_wait3A_288 = tpu.memref_slice %arg2[%add3A_284, %dma_wait3A_287] : memref<320000x128xf32, #tpu.memory_space<hbm>> -> memref<80x128xf32, #tpu.memory_space<hbm>>
    tpu.wait_dma2 semaphore(%arg21 : memref<!tpu.dma_semaphore, #tpu.memory_space<semaphore_mem>>) src(%dma_wait3A_288 : memref<80x128xf32, #tpu.memory_space<hbm>>) dst(%arg9 : memref<80x128xf32, #tpu.memory_space<vmem>>)
    %dma_wait3A_289 = tpu.memref_slice %arg3[%add3A_284] : memref<320000xi32, #tpu.memory_space<hbm>> -> memref<80xi32, #tpu.memory_space<hbm>>
    %dma_wait3A_290 = tpu.memref_slice %arg3[%add3A_284] : memref<320000xi32, #tpu.memory_space<hbm>> -> memref<80xi32, #tpu.memory_space<hbm>>
    tpu.wait_dma2 semaphore(%arg21 : memref<!tpu.dma_semaphore, #tpu.memory_space<semaphore_mem>>) src(%dma_wait3A_290 : memref<80xi32, #tpu.memory_space<hbm>>) dst(%arg13 : memref<80xi32, #tpu.memory_space<vmem>>)
    %dma_start3A_291 = arith.constant 0 : i32
    %dma_start3A_292 = arith.constant 0 : i32
    %dma_start3A_293 = tpu.memref_slice %arg6[%dma_start3A_291, %dma_start3A_292] : memref<10240x128xf32, #tpu.memory_space<vmem_shared>> -> memref<10240x128xf32, #tpu.memory_space<vmem_shared>>
    tpu.enqueue_indirect_dma source(%arg9 : memref<80x128xf32, #tpu.memory_space<vmem>>) target(%dma_start3A_293 : memref<10240x128xf32, #tpu.memory_space<vmem_shared>>) offsets(%arg13 : memref<80xi32, #tpu.memory_space<vmem>>) semaphore(%arg25 : memref<!tpu.dma_semaphore, #tpu.memory_space<semaphore_mem>>) {add = true}
    %dma_start3A_294 = arith.constant 0 : i32
    %dma_start3A_295 = tpu.memref_slice %arg7[%dma_start3A_294] : memref<10240xf32, #tpu.memory_space<vmem_shared>> -> memref<10240xf32, #tpu.memory_space<vmem_shared>>
    tpu.enqueue_indirect_dma source(%arg16 : memref<80xf32, #tpu.memory_space<vmem>>) target(%dma_start3A_295 : memref<10240xf32, #tpu.memory_space<vmem_shared>>) offsets(%arg13 : memref<80xi32, #tpu.memory_space<vmem>>) semaphore(%arg29 : memref<!tpu.dma_semaphore, #tpu.memory_space<semaphore_mem>>) {add = true}
    %dma_wait3A_296 = arith.constant 0 : i32
    %dma_wait3A_297 = arith.constant 0 : i32
    %dma_wait3A_298 = tpu.memref_slice %arg6[%dma_wait3A_296, %dma_wait3A_297] : memref<10240x128xf32, #tpu.memory_space<vmem_shared>> -> memref<10240x128xf32, #tpu.memory_space<vmem_shared>>
    tpu.wait_indirect_dma semaphore(%arg24 : memref<!tpu.dma_semaphore, #tpu.memory_space<semaphore_mem>>) src(%arg8 : memref<80x128xf32, #tpu.memory_space<vmem>>) dst(%dma_wait3A_298 : memref<10240x128xf32, #tpu.memory_space<vmem_shared>>)
    %dma_wait3A_299 = arith.constant 0 : i32
    %dma_wait3A_300 = tpu.memref_slice %arg7[%dma_wait3A_299] : memref<10240xf32, #tpu.memory_space<vmem_shared>> -> memref<10240xf32, #tpu.memory_space<vmem_shared>>
    tpu.wait_indirect_dma semaphore(%arg28 : memref<!tpu.dma_semaphore, #tpu.memory_space<semaphore_mem>>) src(%arg16 : memref<80xf32, #tpu.memory_space<vmem>>) dst(%dma_wait3A_300 : memref<10240xf32, #tpu.memory_space<vmem_shared>>)
    %add3A_301 = arith.constant 9920 : i32
    %add3A_302 = arith.addi %mul3A_2, %add3A_301 : i32
    %dma_start3A_303 = arith.constant 0 : i32
    %dma_start3A_304 = tpu.memref_slice %arg2[%add3A_302, %dma_start3A_303] : memref<320000x128xf32, #tpu.memory_space<hbm>> -> memref<80x128xf32, #tpu.memory_space<hbm>>
    %dma_start3A_305 = arith.constant 0 : i32
    %dma_start3A_306 = tpu.memref_slice %arg2[%add3A_302, %dma_start3A_305] : memref<320000x128xf32, #tpu.memory_space<hbm>> -> memref<80x128xf32, #tpu.memory_space<hbm>>
    tpu.enqueue_dma source(%dma_start3A_306 : memref<80x128xf32, #tpu.memory_space<hbm>>) target(%arg8 : memref<80x128xf32, #tpu.memory_space<vmem>>) target_semaphore(%arg20 : memref<!tpu.dma_semaphore, #tpu.memory_space<semaphore_mem>>)
    %dma_start3A_307 = tpu.memref_slice %arg3[%add3A_302] : memref<320000xi32, #tpu.memory_space<hbm>> -> memref<80xi32, #tpu.memory_space<hbm>>
    %dma_start3A_308 = tpu.memref_slice %arg3[%add3A_302] : memref<320000xi32, #tpu.memory_space<hbm>> -> memref<80xi32, #tpu.memory_space<hbm>>
    tpu.enqueue_dma source(%dma_start3A_308 : memref<80xi32, #tpu.memory_space<hbm>>) target(%arg12 : memref<80xi32, #tpu.memory_space<vmem>>) target_semaphore(%arg20 : memref<!tpu.dma_semaphore, #tpu.memory_space<semaphore_mem>>)
    %add3A_309 = arith.constant 9760 : i32
    %add3A_310 = arith.addi %mul3A_2, %add3A_309 : i32
    %dma_wait3A_311 = arith.constant 0 : i32
    %dma_wait3A_312 = tpu.memref_slice %arg2[%add3A_310, %dma_wait3A_311] : memref<320000x128xf32, #tpu.memory_space<hbm>> -> memref<80x128xf32, #tpu.memory_space<hbm>>
    %dma_wait3A_313 = arith.constant 0 : i32
    %dma_wait3A_314 = tpu.memref_slice %arg2[%add3A_310, %dma_wait3A_313] : memref<320000x128xf32, #tpu.memory_space<hbm>> -> memref<80x128xf32, #tpu.memory_space<hbm>>
    tpu.wait_dma2 semaphore(%arg22 : memref<!tpu.dma_semaphore, #tpu.memory_space<semaphore_mem>>) src(%dma_wait3A_314 : memref<80x128xf32, #tpu.memory_space<hbm>>) dst(%arg10 : memref<80x128xf32, #tpu.memory_space<vmem>>)
    %dma_wait3A_315 = tpu.memref_slice %arg3[%add3A_310] : memref<320000xi32, #tpu.memory_space<hbm>> -> memref<80xi32, #tpu.memory_space<hbm>>
    %dma_wait3A_316 = tpu.memref_slice %arg3[%add3A_310] : memref<320000xi32, #tpu.memory_space<hbm>> -> memref<80xi32, #tpu.memory_space<hbm>>
    tpu.wait_dma2 semaphore(%arg22 : memref<!tpu.dma_semaphore, #tpu.memory_space<semaphore_mem>>) src(%dma_wait3A_316 : memref<80xi32, #tpu.memory_space<hbm>>) dst(%arg14 : memref<80xi32, #tpu.memory_space<vmem>>)
    %dma_start3A_317 = arith.constant 0 : i32
    %dma_start3A_318 = arith.constant 0 : i32
    %dma_start3A_319 = tpu.memref_slice %arg6[%dma_start3A_317, %dma_start3A_318] : memref<10240x128xf32, #tpu.memory_space<vmem_shared>> -> memref<10240x128xf32, #tpu.memory_space<vmem_shared>>
    tpu.enqueue_indirect_dma source(%arg10 : memref<80x128xf32, #tpu.memory_space<vmem>>) target(%dma_start3A_319 : memref<10240x128xf32, #tpu.memory_space<vmem_shared>>) offsets(%arg14 : memref<80xi32, #tpu.memory_space<vmem>>) semaphore(%arg26 : memref<!tpu.dma_semaphore, #tpu.memory_space<semaphore_mem>>) {add = true}
    %dma_start3A_320 = arith.constant 0 : i32
    %dma_start3A_321 = tpu.memref_slice %arg7[%dma_start3A_320] : memref<10240xf32, #tpu.memory_space<vmem_shared>> -> memref<10240xf32, #tpu.memory_space<vmem_shared>>
    tpu.enqueue_indirect_dma source(%arg16 : memref<80xf32, #tpu.memory_space<vmem>>) target(%dma_start3A_321 : memref<10240xf32, #tpu.memory_space<vmem_shared>>) offsets(%arg14 : memref<80xi32, #tpu.memory_space<vmem>>) semaphore(%arg30 : memref<!tpu.dma_semaphore, #tpu.memory_space<semaphore_mem>>) {add = true}
    %dma_wait3A_322 = arith.constant 0 : i32
    %dma_wait3A_323 = arith.constant 0 : i32
    %dma_wait3A_324 = tpu.memref_slice %arg6[%dma_wait3A_322, %dma_wait3A_323] : memref<10240x128xf32, #tpu.memory_space<vmem_shared>> -> memref<10240x128xf32, #tpu.memory_space<vmem_shared>>
    tpu.wait_indirect_dma semaphore(%arg25 : memref<!tpu.dma_semaphore, #tpu.memory_space<semaphore_mem>>) src(%arg9 : memref<80x128xf32, #tpu.memory_space<vmem>>) dst(%dma_wait3A_324 : memref<10240x128xf32, #tpu.memory_space<vmem_shared>>)
    %dma_wait3A_325 = arith.constant 0 : i32
    %dma_wait3A_326 = tpu.memref_slice %arg7[%dma_wait3A_325] : memref<10240xf32, #tpu.memory_space<vmem_shared>> -> memref<10240xf32, #tpu.memory_space<vmem_shared>>
    tpu.wait_indirect_dma semaphore(%arg29 : memref<!tpu.dma_semaphore, #tpu.memory_space<semaphore_mem>>) src(%arg16 : memref<80xf32, #tpu.memory_space<vmem>>) dst(%dma_wait3A_326 : memref<10240xf32, #tpu.memory_space<vmem_shared>>)
    %add3A_327 = arith.constant 9840 : i32
    %add3A_328 = arith.addi %mul3A_2, %add3A_327 : i32
    %dma_wait3A_329 = arith.constant 0 : i32
    %dma_wait3A_330 = tpu.memref_slice %arg2[%add3A_328, %dma_wait3A_329] : memref<320000x128xf32, #tpu.memory_space<hbm>> -> memref<80x128xf32, #tpu.memory_space<hbm>>
    %dma_wait3A_331 = arith.constant 0 : i32
    %dma_wait3A_332 = tpu.memref_slice %arg2[%add3A_328, %dma_wait3A_331] : memref<320000x128xf32, #tpu.memory_space<hbm>> -> memref<80x128xf32, #tpu.memory_space<hbm>>
    tpu.wait_dma2 semaphore(%arg23 : memref<!tpu.dma_semaphore, #tpu.memory_space<semaphore_mem>>) src(%dma_wait3A_332 : memref<80x128xf32, #tpu.memory_space<hbm>>) dst(%arg11 : memref<80x128xf32, #tpu.memory_space<vmem>>)
    %dma_wait3A_333 = tpu.memref_slice %arg3[%add3A_328] : memref<320000xi32, #tpu.memory_space<hbm>> -> memref<80xi32, #tpu.memory_space<hbm>>
    %dma_wait3A_334 = tpu.memref_slice %arg3[%add3A_328] : memref<320000xi32, #tpu.memory_space<hbm>> -> memref<80xi32, #tpu.memory_space<hbm>>
    tpu.wait_dma2 semaphore(%arg23 : memref<!tpu.dma_semaphore, #tpu.memory_space<semaphore_mem>>) src(%dma_wait3A_334 : memref<80xi32, #tpu.memory_space<hbm>>) dst(%arg15 : memref<80xi32, #tpu.memory_space<vmem>>)
    %dma_start3A_335 = arith.constant 0 : i32
    %dma_start3A_336 = arith.constant 0 : i32
    %dma_start3A_337 = tpu.memref_slice %arg6[%dma_start3A_335, %dma_start3A_336] : memref<10240x128xf32, #tpu.memory_space<vmem_shared>> -> memref<10240x128xf32, #tpu.memory_space<vmem_shared>>
    tpu.enqueue_indirect_dma source(%arg11 : memref<80x128xf32, #tpu.memory_space<vmem>>) target(%dma_start3A_337 : memref<10240x128xf32, #tpu.memory_space<vmem_shared>>) offsets(%arg15 : memref<80xi32, #tpu.memory_space<vmem>>) semaphore(%arg27 : memref<!tpu.dma_semaphore, #tpu.memory_space<semaphore_mem>>) {add = true}
    %dma_start3A_338 = arith.constant 0 : i32
    %dma_start3A_339 = tpu.memref_slice %arg7[%dma_start3A_338] : memref<10240xf32, #tpu.memory_space<vmem_shared>> -> memref<10240xf32, #tpu.memory_space<vmem_shared>>
    tpu.enqueue_indirect_dma source(%arg16 : memref<80xf32, #tpu.memory_space<vmem>>) target(%dma_start3A_339 : memref<10240xf32, #tpu.memory_space<vmem_shared>>) offsets(%arg15 : memref<80xi32, #tpu.memory_space<vmem>>) semaphore(%arg31 : memref<!tpu.dma_semaphore, #tpu.memory_space<semaphore_mem>>) {add = true}
    %dma_wait3A_340 = arith.constant 0 : i32
    %dma_wait3A_341 = arith.constant 0 : i32
    %dma_wait3A_342 = tpu.memref_slice %arg6[%dma_wait3A_340, %dma_wait3A_341] : memref<10240x128xf32, #tpu.memory_space<vmem_shared>> -> memref<10240x128xf32, #tpu.memory_space<vmem_shared>>
    tpu.wait_indirect_dma semaphore(%arg26 : memref<!tpu.dma_semaphore, #tpu.memory_space<semaphore_mem>>) src(%arg10 : memref<80x128xf32, #tpu.memory_space<vmem>>) dst(%dma_wait3A_342 : memref<10240x128xf32, #tpu.memory_space<vmem_shared>>)
    %dma_wait3A_343 = arith.constant 0 : i32
    %dma_wait3A_344 = tpu.memref_slice %arg7[%dma_wait3A_343] : memref<10240xf32, #tpu.memory_space<vmem_shared>> -> memref<10240xf32, #tpu.memory_space<vmem_shared>>
    tpu.wait_indirect_dma semaphore(%arg30 : memref<!tpu.dma_semaphore, #tpu.memory_space<semaphore_mem>>) src(%arg16 : memref<80xf32, #tpu.memory_space<vmem>>) dst(%dma_wait3A_344 : memref<10240xf32, #tpu.memory_space<vmem_shared>>)
    %add3A_345 = arith.constant 9920 : i32
    %add3A_346 = arith.addi %mul3A_2, %add3A_345 : i32
    %dma_wait3A_347 = arith.constant 0 : i32
    %dma_wait3A_348 = tpu.memref_slice %arg2[%add3A_346, %dma_wait3A_347] : memref<320000x128xf32, #tpu.memory_space<hbm>> -> memref<80x128xf32, #tpu.memory_space<hbm>>
    %dma_wait3A_349 = arith.constant 0 : i32
    %dma_wait3A_350 = tpu.memref_slice %arg2[%add3A_346, %dma_wait3A_349] : memref<320000x128xf32, #tpu.memory_space<hbm>> -> memref<80x128xf32, #tpu.memory_space<hbm>>
    tpu.wait_dma2 semaphore(%arg20 : memref<!tpu.dma_semaphore, #tpu.memory_space<semaphore_mem>>) src(%dma_wait3A_350 : memref<80x128xf32, #tpu.memory_space<hbm>>) dst(%arg8 : memref<80x128xf32, #tpu.memory_space<vmem>>)
    %dma_wait3A_351 = tpu.memref_slice %arg3[%add3A_346] : memref<320000xi32, #tpu.memory_space<hbm>> -> memref<80xi32, #tpu.memory_space<hbm>>
    %dma_wait3A_352 = tpu.memref_slice %arg3[%add3A_346] : memref<320000xi32, #tpu.memory_space<hbm>> -> memref<80xi32, #tpu.memory_space<hbm>>
    tpu.wait_dma2 semaphore(%arg20 : memref<!tpu.dma_semaphore, #tpu.memory_space<semaphore_mem>>) src(%dma_wait3A_352 : memref<80xi32, #tpu.memory_space<hbm>>) dst(%arg12 : memref<80xi32, #tpu.memory_space<vmem>>)
    %dma_start3A_353 = arith.constant 0 : i32
    %dma_start3A_354 = arith.constant 0 : i32
    %dma_start3A_355 = tpu.memref_slice %arg6[%dma_start3A_353, %dma_start3A_354] : memref<10240x128xf32, #tpu.memory_space<vmem_shared>> -> memref<10240x128xf32, #tpu.memory_space<vmem_shared>>
    tpu.enqueue_indirect_dma source(%arg8 : memref<80x128xf32, #tpu.memory_space<vmem>>) target(%dma_start3A_355 : memref<10240x128xf32, #tpu.memory_space<vmem_shared>>) offsets(%arg12 : memref<80xi32, #tpu.memory_space<vmem>>) semaphore(%arg24 : memref<!tpu.dma_semaphore, #tpu.memory_space<semaphore_mem>>) {add = true}
    %dma_start3A_356 = arith.constant 0 : i32
    %dma_start3A_357 = tpu.memref_slice %arg7[%dma_start3A_356] : memref<10240xf32, #tpu.memory_space<vmem_shared>> -> memref<10240xf32, #tpu.memory_space<vmem_shared>>
    tpu.enqueue_indirect_dma source(%arg16 : memref<80xf32, #tpu.memory_space<vmem>>) target(%dma_start3A_357 : memref<10240xf32, #tpu.memory_space<vmem_shared>>) offsets(%arg12 : memref<80xi32, #tpu.memory_space<vmem>>) semaphore(%arg28 : memref<!tpu.dma_semaphore, #tpu.memory_space<semaphore_mem>>) {add = true}
    %dma_wait3A_358 = arith.constant 0 : i32
    %dma_wait3A_359 = arith.constant 0 : i32
    %dma_wait3A_360 = tpu.memref_slice %arg6[%dma_wait3A_358, %dma_wait3A_359] : memref<10240x128xf32, #tpu.memory_space<vmem_shared>> -> memref<10240x128xf32, #tpu.memory_space<vmem_shared>>
    tpu.wait_indirect_dma semaphore(%arg27 : memref<!tpu.dma_semaphore, #tpu.memory_space<semaphore_mem>>) src(%arg11 : memref<80x128xf32, #tpu.memory_space<vmem>>) dst(%dma_wait3A_360 : memref<10240x128xf32, #tpu.memory_space<vmem_shared>>)
    %dma_wait3A_361 = arith.constant 0 : i32
    %dma_wait3A_362 = tpu.memref_slice %arg7[%dma_wait3A_361] : memref<10240xf32, #tpu.memory_space<vmem_shared>> -> memref<10240xf32, #tpu.memory_space<vmem_shared>>
    tpu.wait_indirect_dma semaphore(%arg31 : memref<!tpu.dma_semaphore, #tpu.memory_space<semaphore_mem>>) src(%arg16 : memref<80xf32, #tpu.memory_space<vmem>>) dst(%dma_wait3A_362 : memref<10240xf32, #tpu.memory_space<vmem_shared>>)
    %dma_wait3A_363 = arith.constant 0 : i32
    %dma_wait3A_364 = arith.constant 0 : i32
    %dma_wait3A_365 = tpu.memref_slice %arg6[%dma_wait3A_363, %dma_wait3A_364] : memref<10240x128xf32, #tpu.memory_space<vmem_shared>> -> memref<10240x128xf32, #tpu.memory_space<vmem_shared>>
    tpu.wait_indirect_dma semaphore(%arg24 : memref<!tpu.dma_semaphore, #tpu.memory_space<semaphore_mem>>) src(%arg8 : memref<80x128xf32, #tpu.memory_space<vmem>>) dst(%dma_wait3A_365 : memref<10240x128xf32, #tpu.memory_space<vmem_shared>>)
    %dma_wait3A_366 = arith.constant 0 : i32
    %dma_wait3A_367 = tpu.memref_slice %arg7[%dma_wait3A_366] : memref<10240xf32, #tpu.memory_space<vmem_shared>> -> memref<10240xf32, #tpu.memory_space<vmem_shared>>
    tpu.wait_indirect_dma semaphore(%arg28 : memref<!tpu.dma_semaphore, #tpu.memory_space<semaphore_mem>>) src(%arg16 : memref<80xf32, #tpu.memory_space<vmem>>) dst(%dma_wait3A_367 : memref<10240xf32, #tpu.memory_space<vmem_shared>>)
    %barrier3A_368 = arith.constant 0 : index
    tpu.barrier barrier_id(%barrier3A_368)
    "tpu.region"() ({
      %run_scoped3A = tpu.sem_alloc : memref<!tpu.dma_semaphore, #tpu.memory_space<semaphore_mem>>
      %dma_start3A_369 = arith.constant 0 : i32
      %dma_start3A_370 = tpu.memref_slice %arg4[%arg0, %mul3A_28, %dma_start3A_369] : memref<2x10240x128xf32, #tpu.memory_space<hbm>> -> memref<1x640x128xf32, #tpu.memory_space<hbm>>
      %dma_start3A_371 = tpu.memref_squeeze %dma_start3A_370 : memref<1x640x128xf32, #tpu.memory_space<hbm>> -> memref<640x128xf32, #tpu.memory_space<hbm>>
      %dma_start3A_372 = arith.constant 0 : i32
      %dma_start3A_373 = tpu.memref_slice %arg6[%mul3A_28, %dma_start3A_372] : memref<10240x128xf32, #tpu.memory_space<vmem_shared>> -> memref<640x128xf32, #tpu.memory_space<vmem_shared>>
      tpu.enqueue_dma source(%dma_start3A_373 : memref<640x128xf32, #tpu.memory_space<vmem_shared>>) target(%dma_start3A_371 : memref<640x128xf32, #tpu.memory_space<hbm>>) target_semaphore(%run_scoped3A : memref<!tpu.dma_semaphore, #tpu.memory_space<semaphore_mem>>)
      %dma_wait3A_374 = arith.constant 0 : i32
      %dma_wait3A_375 = tpu.memref_slice %arg4[%arg0, %mul3A_28, %dma_wait3A_374] : memref<2x10240x128xf32, #tpu.memory_space<hbm>> -> memref<1x640x128xf32, #tpu.memory_space<hbm>>
      %dma_wait3A_376 = tpu.memref_squeeze %dma_wait3A_375 : memref<1x640x128xf32, #tpu.memory_space<hbm>> -> memref<640x128xf32, #tpu.memory_space<hbm>>
      %dma_wait3A_377 = arith.constant 0 : i32
      %dma_wait3A_378 = tpu.memref_slice %arg6[%mul3A_28, %dma_wait3A_377] : memref<10240x128xf32, #tpu.memory_space<vmem_shared>> -> memref<640x128xf32, #tpu.memory_space<vmem_shared>>
      tpu.wait_dma2 semaphore(%run_scoped3A : memref<!tpu.dma_semaphore, #tpu.memory_space<semaphore_mem>>) src(%dma_wait3A_378 : memref<640x128xf32, #tpu.memory_space<vmem_shared>>) dst(%dma_wait3A_376 : memref<640x128xf32, #tpu.memory_space<hbm>>)
      tpu.yield
    }) : () -> ()
    "tpu.region"() ({
      %run_scoped3A = tpu.sem_alloc : memref<!tpu.dma_semaphore, #tpu.memory_space<semaphore_mem>>
      %dma_start3A_369 = tpu.memref_slice %arg5[%arg0, %mul3A_28] : memref<2x10240xf32, #tpu.memory_space<hbm>> -> memref<1x640xf32, #tpu.memory_space<hbm>>
      %dma_start3A_370 = tpu.memref_squeeze %dma_start3A_369 : memref<1x640xf32, #tpu.memory_space<hbm>> -> memref<640xf32, #tpu.memory_space<hbm>>
      %dma_start3A_371 = tpu.memref_slice %arg7[%mul3A_28] : memref<10240xf32, #tpu.memory_space<vmem_shared>> -> memref<640xf32, #tpu.memory_space<vmem_shared>>
      tpu.enqueue_dma source(%dma_start3A_371 : memref<640xf32, #tpu.memory_space<vmem_shared>>) target(%dma_start3A_370 : memref<640xf32, #tpu.memory_space<hbm>>) target_semaphore(%run_scoped3A : memref<!tpu.dma_semaphore, #tpu.memory_space<semaphore_mem>>)
      %dma_wait3A_372 = tpu.memref_slice %arg5[%arg0, %mul3A_28] : memref<2x10240xf32, #tpu.memory_space<hbm>> -> memref<1x640xf32, #tpu.memory_space<hbm>>
      %dma_wait3A_373 = tpu.memref_squeeze %dma_wait3A_372 : memref<1x640xf32, #tpu.memory_space<hbm>> -> memref<640xf32, #tpu.memory_space<hbm>>
      %dma_wait3A_374 = tpu.memref_slice %arg7[%mul3A_28] : memref<10240xf32, #tpu.memory_space<vmem_shared>> -> memref<640xf32, #tpu.memory_space<vmem_shared>>
      tpu.wait_dma2 semaphore(%run_scoped3A : memref<!tpu.dma_semaphore, #tpu.memory_space<semaphore_mem>>) src(%dma_wait3A_374 : memref<640xf32, #tpu.memory_space<vmem_shared>>) dst(%dma_wait3A_373 : memref<640xf32, #tpu.memory_space<hbm>>)
      tpu.yield
    }) : () -> ()
    return
  }
}

</mosaic_0001>

<sc_bundles>
// kernel: _sc_aggregate.3.cloned.1.call-start
scs
__scs_entry_jumppad:
0x0: {  	(pc) =	sbr.rel $0x88, $3  }
0x1: {  	(tag) =	ssettag $0x0;
	lr =	simm.s32 $0x1  }
0x2: {  	[smem:$0x3F9F] =	sst lr;
	_ =	strace $0xD0000000  }
0x3: {  	_ = 	snop  }
0x4: {  	_ = 	snop  }
0x5: {  	_ = 	snop  }
0x6: {  	_ = 	snop  }
0x7: {  	_ = 	snop  }
__scs_overlays_trampoline_lowered:
0x8: {  	[smem:$0x3FAE] =	sst s0  }
0x9: {  	[smem:$0x3FAF] =	sst s1  }
0xa: {  	[smem:$0x3FB0] =	sst s2  }
0xb: {  	[smem:$0x3FB1] =	sst s3  }
0xc: {  	[smem:$0x3FB2] =	sst s4  }
0xd: {  	[smem:$0x3FB3] =	sst s5  }
0xe: {  	[smem:$0x3FB4] =	sst s6  }
0xf: {  	[smem:$0x3FB5] =	sst s7  }
0x10: {  	[smem:$0x3FB6] =	sst s8  }
0x11: {  	[smem:$0x3FB7] =	sst s9;
	s0 =	simm.s32 @!p0 $0x0  }
0x12: {  	s1 =	sld [smem:$0x3F9D];
	s0 =	simm.s32 @p0 $0x1  }
0x13: {  	[smem:$0x3FB8] =	sst s0;
	s0 =	simm.s32 @!p1 $0x0  }
0x14: {  	s2 =	sld [smem:$0x3F9C];
	s0 =	simm.s32 @p1 $0x1  }
0x15: {  	[smem:$0x3FB9] =	sst s0;
	s0 =	simm.s32 @!p2 $0x0  }
0x16: {  	s3 =	sld [smem:$0x3FDB];
	s0 =	simm.s32 @p2 $0x1  }
0x17: {  	s4 =	simm.s32 $0x1BF5;
	[smem:$0x3FBB] =	sst s0  }
0x18: {  	s0 =	sld [smem:$0x3F9E];
	_ =	swait.ge [sflag:s4], $0x0  }
0x19: {  	s7 =	sld [smem:$0x3F9F]  }
0x1a: {  	s8 =	sadd.s32 $0xFFFFE003, lr  }
0x1b: {  	s9 =	sadd.s32 $0xFFFFFEF7, lr;
	s5 =	simm.s32 $0xFFFFFFFF;
	p2 =	slt.u32 s8, $0xFFFFF086  }
0x1c: {  	p1 =	slt.u32 s9, $0xF7A;
	s5 =	simm.s32 @!p2 $0x0  }
0x1d: {  	s5 =	simm.s32 @p1 $0x1;
	p0 =	seq.s32 s7, s2  }
0x1e: {  	s7 =	smul.u32 @!p0 $0xF7A, s2;
	p2 =	seq.s32 @!p0 s5, $0x0  }
0x1f: {  	s9 =	smul.u32 $0xF7A, s1;
	s8 =	simm.s32 @!p0 $0x1BF5;
	p2 =	por !p2, p0  }
0x20: {  	[sflag:s8] =	ssyncset.s32 @!p0 $0xFFFFF086;
	s6 =	sadd.s32 @!p0 s3, s7;
	s7 =	simm.s32 @!p0 $0x108  }
0x21: {  	s3 =	sadd.s32 s3, s9;
	s6 =	sadd.s32 @!p0 $0x88, s6;
	s7 =	simm.s32 @p2 $0x1082  }
0x22: {  	[simem:s7], [sflag:s8] =	dma.local @!p0 [hbm:s6], $0xF7A  }
0x23: {  	s9 =	sor.u32 $0xD0000000, s2;
	s6 =	simm.s32 $0x108;
	_ =	swait.ge @!p0 [sflag:s8], $0x0  }
0x24: {  	s3 =	sadd.s32 $0x88, s3;
	s6 =	simm.s32 @!p1 $0x1082;
	[sflag:s4] =	ssyncset.s32 $0xFFFFF086  }
0x25: {  	[simem:s6], [sflag:s4] =	dma.local [hbm:s3], $0xF7A  }
0x26: {  	[smem:$0x3F9F] =	sst s1;
	(tag) =	ssettag s2;
	_ =	strace s9  }
0x27: {  	s1 =	sld [smem:$0x3FAF]  }
0x28: {  	s2 =	sld [smem:$0x3FB0]  }
0x29: {  	s4 =	sld [smem:$0x3FB2]  }
0x2a: {  	p0 =	seq.s32 s5, $0x0;
	s5 =	sld [smem:$0x3FB3]  }
0x2b: {  	s6 =	sld [smem:$0x3FB4]  }
0x2c: {  	s7 =	sld [smem:$0x3FB5]  }
0x2d: {  	s3 =	simm.s32 $0x108;
	s8 =	sld [smem:$0x3FB6]  }
0x2e: {  	s3 =	simm.s32 @!p0 $0x1082;
	s9 =	sld [smem:$0x3FB7]  }
0x2f: {  	lr =	sadd.s32 s0, s3;
	s0 =	sld [smem:$0x3FAE]  }
0x30: {  	s3 =	sld [smem:$0x3FB1]  }
0x31: {  	[smem:$0x3FBA] =	sst s10  }
0x32: {  	s10 =	sld [smem:$0x3FB8];
	_ =	sdelay $0x3  }
0x33: {  	p0 =	seq.s32 s10, $0x1;
	s10 =	sld [smem:$0x3FBA];
	_ =	sdelay $0x3  }
0x34: {  	[smem:$0x3FBA] =	sst s10  }
0x35: {  	s10 =	sld [smem:$0x3FB9];
	_ =	sdelay $0x3  }
0x36: {  	p1 =	seq.s32 s10, $0x1;
	s10 =	sld [smem:$0x3FBA];
	_ =	sdelay $0x3  }
0x37: {  	[smem:$0x3FBA] =	sst s10  }
0x38: {  	s10 =	sld [smem:$0x3FBB]  }
0x39: {  	_ = 	snop;
	(pc) =	sbr.ind lr, $3  }
0x3a: {  	_ = 	snop  }
0x3b: {  	_ = 	snop  }
0x3c: {  	p2 =	seq.s32 s10, $0x1;
	s10 =	sld [smem:$0x3FBA]  }
0x3d: {  	_ =	shalt  }
0x3e: {  	_ =	shalt  }
0x3f: {  	_ =	shalt  }
0x40: {  	_ =	shalt  }
0x41: {  	_ =	shalt  }
0x42: {  	_ =	shalt  }
0x43: {  	_ =	shalt  }
0x44: {  	_ =	shalt  }
0x45: {  	_ =	shalt  }
0x46: {  	_ =	shalt  }
0x47: {  	_ =	shalt  }
0x48: {  	_ =	shalt  }
0x49: {  	_ =	shalt  }
0x4a: {  	_ =	shalt  }
0x4b: {  	_ =	shalt  }
0x4c: {  	_ =	shalt  }
0x4d: {  	_ =	shalt  }
0x4e: {  	_ =	shalt  }
0x4f: {  	_ =	shalt  }
0x50: {  	_ =	shalt  }
0x51: {  	_ =	shalt  }
0x52: {  	_ =	shalt  }
0x53: {  	_ =	shalt  }
0x54: {  	_ =	shalt  }
0x55: {  	_ =	shalt  }
0x56: {  	_ =	shalt  }
0x57: {  	_ =	shalt  }
0x58: {  	_ =	shalt  }
0x59: {  	_ =	shalt  }
0x5a: {  	_ =	shalt  }
0x5b: {  	_ =	shalt  }
0x5c: {  	_ =	shalt  }
0x5d: {  	_ =	shalt  }
0x5e: {  	_ =	shalt  }
0x5f: {  	_ =	shalt  }
0x60: {  	_ =	shalt  }
0x61: {  	_ =	shalt  }
0x62: {  	_ =	shalt  }
0x63: {  	_ =	shalt  }
0x64: {  	_ =	shalt  }
0x65: {  	_ =	shalt  }
0x66: {  	_ =	shalt  }
0x67: {  	_ =	shalt  }
0x68: {  	_ =	shalt  }
0x69: {  	_ =	shalt  }
0x6a: {  	_ =	shalt  }
0x6b: {  	_ =	shalt  }
0x6c: {  	_ =	shalt  }
0x6d: {  	_ =	shalt  }
0x6e: {  	_ =	shalt  }
0x6f: {  	_ =	shalt  }
0x70: {  	_ =	shalt  }
0x71: {  	_ =	shalt  }
0x72: {  	_ =	shalt  }
0x73: {  	_ =	shalt  }
0x74: {  	_ =	shalt  }
0x75: {  	_ =	shalt  }
0x76: {  	_ =	shalt  }
0x77: {  	_ =	shalt  }
0x78: {  	_ =	shalt  }
0x79: {  	_ =	shalt  }
0x7a: {  	_ =	shalt  }
0x7b: {  	_ =	shalt  }
0x7c: {  	_ =	shalt  }
0x7d: {  	_ =	shalt  }
0x7e: {  	_ =	shalt  }
0x7f: {  	_ =	shalt  }
0x80: {  	_ =	shalt  }
0x81: {  	_ =	shalt  }
0x82: {  	_ =	shalt  }
0x83: {  	_ =	shalt  }
0x84: {  	_ =	shalt  }
0x85: {  	_ =	shalt  }
0x86: {  	_ =	shalt  }
0x87: {  	_ =	shalt  }
.Lfunc_end0:
.L_simem_size_0:
called_computation_lowered:
.L_overlay_start_0:
0x88: {  	s2 =	sld [smem:$0x3FD9]  }
0x89: {  	s3 =	sld [smem:$0x3FFE];
	_ =	sdelay $0x1  }
0x8a: {  	s1 =	srdreg.scid  }
0x8b: {  	s0 =	sand.u32 $0x1, s1  }
0x8c: {  	s15 =	sshll.u32 s0, $0xA;
	s2 =	sadd.s32 s3, s2  }
0x8d: {  	s2 =	sadd.s32 s2, s15  }
0x8e: {  	[smem:$0x3FC6] =	sst s2  }
0x8f: {  	_ = 	snop  }
0x90: {  	s2 =	sld [smem:$0x3FD0];
	_ =	sdelay $0x1  }
0x91: {  	s16 =	sld [smem:$0x3FC9]  }
0x92: {  	s5 =	simm.s32 $0xA;
	s6 =	simm.s32 $0x10;
	s4 =	sld [smem:$0x3FC8]  }
0x93: {  	[smem:s6], [sflag:s5] =	dma.local [hbm:s2], $0x1  }
0x94: {  	_ =	swait.eq [sflag:s5], $0x1  }
0x95: {  	[sflag:s5] =	ssyncset.done $0x0  }
0x96: {  	s17 =	sld [smem:$0x10];
	[sflag:s5] =	ssyncadd.s32 $0xFFFFFFFF  }
0x97: {  	s18 =	sld [smem:$0x11];
	(tm) =	ssettm $0x1  }
0x98: {  	s19 =	sld [smem:$0x3FFB];
	_ =	sdelay $0x3  }
0x99: {  	_ =	strace s19  }
0x9a: {  	s6 =	sld [smem:$0x3FFC];
	_ =	sdelay $0x3  }
0x9b: {  	_ =	strace s6  }
0x9c: {  	s6 =	sld [smem:$0x3FFD];
	_ =	sdelay $0x3  }
0x9d: {  	_ =	strace s6  }
0x9e: {  	_ =	strace $0x8FFFFFFF  }
0x9f: {  	s20 =	sld [smem:$0x3FDB];
	_ =	sdelay $0x1  }
0xa0: {  	s7 =	simm.s32 $_scs_section_size  }
0xa1: {  	s8 =	simm.s32 $_size__tile_overlayer_lowered;
	s9 =	simm.s32 $_tile_overlayer_lowered  }
0xa2: {  	s23 =	simm.s32 $0x1BFF;
	s22 =	sshll.u32 s9, $0x1;
	s6 =	sadd.s32 s7, s20  }
0xa3: {  	s10 =	simm.s32 $0x0;
	s21 =	sshll.u32 s8, $0x1;
	s8 =	sadd.s32 s22, s6  }
0xa4: {  	[timem:s10], [sflag:s23] =	dma.local [hbm:s8], s21  }
0xa5: {  	_ =	swait.ge [sflag:s23], s21  }
0xa6: {  	s7 =	ssub.s32 $0x0, s21;
	[sflag:s23] =	ssyncset.done $0x0  }
0xa7: {  	[sflag:s23] =	ssyncadd.s32 s7;
	_ =	sdelay $0x1  }
0xa8: {  	s24 =	simm.s32 $0x1B8B  }
0xa9: {  	_ =	swait.ge [sflag:s24], $0x1  }
0xaa: {  	[sflag:s24] =	ssyncset.done $0x0  }
0xab: {  	s25 =	simm.s32 $0x1B8E;
	[sflag:s24] =	ssyncadd.s32 $0xFFFFFFFF  }
0xac: {  	s26 =	simm.s32 $execute0_lowered;
	[smem:$0x3FD2] =	sst s25  }
0xad: {  	s7 =	sshll.u32 s26, $0x1;
	_ =	strace $0x80000046;
	[dreg:$0x1] =	wrdreg $0xFFFFFFFF  }
0xae: {  	s28 =	simm.s32 $_size_execute0_lowered;
	s6 =	sadd.s32 s6, s7;
	[dreg:$0x0] =	wrdreg $0x0  }
0xaf: {  	s7 =	sshll.u32 s28, $0x1;
	[dreg:$0x2] =	wrdreg s6  }
0xb0: {  	[dreg:$0x3] =	wrdreg s7  }
0xb1: {  	[dreg:$0x4] =	wrdreg $0xC0  }
0xb2: {  	_ =	task [dreg:s10], $0x5FFFF  }
0xb3: {  	[dreg:$0x1] =	wrdreg $0xFFFFFFFF  }
0xb4: {  	[dreg:$0x0] =	wrdreg $0x60  }
0xb5: {  	[dreg:$0x2] =	wrdreg s16  }
0xb6: {  	[dreg:$0x3] =	wrdreg s4  }
0xb7: {  	[dreg:$0x4] =	wrdreg s17  }
0xb8: {  	[dreg:$0x5] =	wrdreg s18  }
0xb9: {  	[dreg:$0x6] =	wrdreg $0x0  }
0xba: {  	[dreg:$0x7] =	wrdreg $0x140000  }
0xbb: {  	[dreg:$0x8] =	wrdreg $0x9  }
0xbc: {  	_ =	task.clear_ibuf [dreg:s10], $0x9FFFF;
	_ =	strace $0x90000046  }
0xbd: {  	s29 =	simm.s32 $0x9;
	_ =	strace $0x80000048  }
0xbe: {  	_ =	swait.ge [sflag:s29], $0x1  }
0xbf: {  	[sflag:s29] =	ssyncadd.s32 $0xFFFFFFFF  }
0xc0: {  	_ =	strace $0x90000048  }
0xc1: {  	_ =	sfence  }
0xc2: {  	s30 =	sld [smem:$0x0];
	_ =	sdelay $0x2  }
0xc3: {  	s31 =	sshll.u32 s1, $0xD;
	s1 =	sshrl.u32 s1, $0x2  }
0xc4: {  	s3 =	sand.u32 $0x4000, s31;
	s1 =	sadd.s32 s1, s30  }
0xc5: {  	s0 =	sor.u32 s3, s0;
	s1 =	sshll.u32 s1, $0x11  }
0xc6: {  	s0 =	sor.u32 s1, s0  }
0xc7: {  	s0 =	sadd.s32 $0x8F2B, s0  }
0xc8: {  	[sflag:s0] =	ssyncadd.remote.s32 $0x1  }
0xc9: {  	_ =	sfence.sel $0xFFFF  }
0xca: {  	[dreg:$0x0] =	wrdreg $0xFFFFFFFF;
	(pc) =	sbr.abs _section_cstart, $3  }
0xcb: {  	[dreg:$0x1] =	wrdreg $0xFFFFFFFF  }
0xcc: {  	_ =	task.clear_ibuf [dreg:s10], $0x2FFFF;
	_ =	strace $0x9FFFFFFF  }
0xcd: {  	(tm) =	ssettm $0x7FFFFFFF  }
tec
execute0_lowered:
.L_overlay_start_1:
0x0: {  	(tag) =	ssettag $0x1  }
0x1: {  	s0 =	srdreg.scid;
	s4 =	rddreg [dreg:$0x0]  }
0x2: {  	s18 =	stileid.u32;
	s5 =	rddreg [dreg:$0x2]  }
0x3: {  	s7 =	rddreg [dreg:$0x3];
	s3 =	sand.u32 $0x1, s0;
	s17 =	smul.u32 $0x14000, s18  }
0x4: {  	s31 =	simm.s32 $0x1BA80;
	s19 =	smul.u32 $0x500, s18;
	s1 =	sshll.u32 s3, $0x4  }
0x5: {  	s0 =	rddreg [dreg:$0x1];
	s28 =	smul.u32 $0x140000, s3;
	s2 =	sor.u32 s18, s1  }
0x6: {  	s8 =	ssub.s32 $0x2, s3;
	s20 =	sshll.u32 s3, $0x7;
	s6 =	smul.u32 $0x2710, s2  }
0x7: {  	s1 =	simm.s32 $0x0;
	s22 =	sshrl.u32 s8, $0x1;
	s9 =	smul.u32 $0x27100, s2  }
0x8: {  	[smem:$0x7FF] =	sst s1;
	s2 =	ssub.s32 s8, s22;
	s10 =	sadd.s32 $0x50, s6  }
0x9: {  	s23 =	sadd.s32 s4, s9;
	s8 =	sadd.s32 $0xA0, s6;
	s9 =	sadd.s32 $0xF0, s6  }
0xa: {  	s11 =	sshll.u32 s10, $0x4;
	[dreg:$0x8] =	wrdreg s23;
	s23 =	smul.u32 $0x271000, s3  }
0xb: {  	s12 =	sshll.u32 s8, $0x4;
	s13 =	sshll.u32 s9, $0x4;
	s3 =	smul.u32 $0x27100, s3  }
0xc: {  	s24 =	sadd.s32 s4, s11;
	s11 =	sadd.s32 $0x140, s6;
	s12 =	sadd.s32 s4, s12  }
0xd: {  	s25 =	sadd.s32 s4, s13;
	s13 =	sadd.s32 s17, s28;
	[dreg:$0x9] =	wrdreg s24  }
0xe: {  	s28 =	smul.u32 $0x50000, s18;
	s14 =	sshll.u32 s11, $0x4;
	[dreg:$0xa] =	wrdreg s12  }
0xf: {  	[dreg:$0xb] =	wrdreg s25;
	s12 =	sadd.s32 $0x190, s6;
	s13 =	sshrl.u32 s13, $0x3  }
0x10: {  	s25 =	smul.u32 $0x27100, s18;
	s26 =	sadd.s32 s4, s14;
	s14 =	sadd.s32 $0x1E0, s6  }
0x11: {  	s15 =	sshll.u32 s12, $0x4;
	s5 =	sadd.s32 s5, s13;
	[dreg:$0xc] =	wrdreg s26  }
0x12: {  	s13 =	sshrl.u32 s6, $0x3;
	s15 =	sadd.s32 s4, s15;
	[dreg:$0x10] =	wrdreg s5  }
0x13: {  	s16 =	sshll.u32 s14, $0x4;
	s26 =	smul.u32 $0x2710, s18;
	[dreg:$0xd] =	wrdreg s15  }
0x14: {  	s16 =	sadd.s32 s4, s16;
	s15 =	sor.u32 s20, s19;
	s19 =	sshrl.u32 s28, $0x2  }
0x15: {  	s20 =	sshrl.u32 s10, $0x3;
	s28 =	sshrl.u32 s14, $0x3;
	[dreg:$0xe] =	wrdreg s16  }
0x16: {  	s16 =	sadd.s32 $0x2670, s6;
	s22 =	sshrl.u32 s15, $0x3;
	s15 =	rddreg [dreg:$0x4]  }
0x17: {  	s3 =	sadd.s32 s26, s3;
	s26 =	sshrl.u32 s12, $0x3;
	s21 =	sshll.u32 s16, $0x4  }
0x18: {  	s5 =	sadd.s32 s7, s22;
	s22 =	rddreg [dreg:$0x5];
	s10 =	sadd.s32 $0x320, s3  }
0x19: {  	s12 =	sadd.s32 $0x2D0, s3;
	s14 =	sadd.s32 $0x280, s3;
	s3 =	sadd.s32 $0x230, s3  }
0x1a: {  	s29 =	sadd.s32 s19, s15;
	s19 =	smax.u32 s2, $0x1;
	s17 =	sadd.s32 s4, s21  }
0x1b: {  	s2 =	simm.s32 $0x2;
	[dreg:$0xf] =	wrdreg s17;
	s17 =	sadd.s32 $0x26C0, s6  }
0x1c: {  	[dreg:$0x11] =	wrdreg s5;
	s21 =	sshrl.u32 s8, $0x3;
	s24 =	sshll.u32 s17, $0x4  }
0x1d: {  	s8 =	sshrl.u32 s16, $0x3;
	s7 =	sadd.s32 s4, s24;
	s4 =	sadd.s32 s23, s4  }
0x1e: {  	s23 =	sshrl.u32 s9, $0x3;
	[dreg:$0x12] =	wrdreg s7;
	s4 =	sadd.s32 s25, s4  }
0x1f: {  	s24 =	sadd.s32 s0, s23;
	_ =	strace $0x80000047;
	[dreg:$0x7] =	wrdreg s4  }
0x20: {  	s6 =	sshrl.u32 s14, $0x3;
	s7 =	sadd.s32 s0, s28;
	[dreg:$0x16] =	wrdreg s24  }
0x21: {  	s9 =	sshrl.u32 s17, $0x3;
	s17 =	sadd.s32 s6, s0;
	[dreg:$0x19] =	wrdreg s7  }
0x22: {  	s16 =	smul.u32 $0xA00, s18;
	s3 =	sshrl.u32 s3, $0x3;
	[dreg:$0x1e] =	wrdreg s17  }
0x23: {  	s5 =	simm.s32 $0x4;
	s23 =	sadd.s32 $0x7800, s29;
	[smem:$0x7F4] =	sst s19  }
0x24: {  	s14 =	simm.s32 $0x5;
	s28 =	sadd.s32 $0x11800, s29;
	[smem:$0x7F7] =	sst s23  }
0x25: {  	s18 =	sshrl.u32 s16, $0x2;
	s16 =	simm.s32 $0x1E280;
	[smem:$0x7FB] =	sst s28  }
0x26: {  	s30 =	sadd.s32 s18, s22;
	s18 =	simm.s32 $0x1E480;
	[smem:$0x7FC] =	sst s29  }
0x27: {  	s6 =	simm.s32 $0xA;
	s4 =	sadd.s32 s0, s13;
	[smem:$0x7FD] =	sst s30  }
0x28: {  	s25 =	sshrl.u32 s11, $0x3;
	s24 =	sadd.s32 $0xA000, s29;
	[dreg:$0x13] =	wrdreg s4  }
0x29: {  	s11 =	sshrl.u32 s10, $0x3;
	s4 =	sadd.s32 s0, s20;
	[smem:$0x7F8] =	sst s24  }
0x2a: {  	s13 =	sshrl.u32 s12, $0x3;
	s20 =	sadd.s32 $0x2800, s29;
	[dreg:$0x14] =	wrdreg s4  }
0x2b: {  	s19 =	simm.s32 $0x6;
	s4 =	sadd.s32 s0, s21;
	[smem:$0x7F5] =	sst s20  }
0x2c: {  	s23 =	simm.s32 $0x1;
	s21 =	sadd.s32 $0x5000, s29;
	[dreg:$0x15] =	wrdreg s4  }
0x2d: {  	s17 =	simm.s32 $0x1E300;
	s4 =	sadd.s32 s0, s25;
	[smem:$0x7F6] =	sst s21  }
0x2e: {  	s7 =	simm.s32 $0xB;
	s25 =	sadd.s32 $0xC800, s29;
	[dreg:$0x17] =	wrdreg s4  }
0x2f: {  	s24 =	simm.s32 $0x50;
	s4 =	sadd.s32 s0, s26;
	[smem:$0x7F9] =	sst s25  }
0x30: {  	s20 =	simm.s32 $0x7;
	s26 =	sadd.s32 $0xF000, s29;
	[dreg:$0x18] =	wrdreg s4  }
0x31: {  	s21 =	simm.s32 $0x8;
	s4 =	sadd.s32 s0, s8;
	[smem:$0x7FA] =	sst s26  }
0x32: {  	[dreg:$0x1a] =	wrdreg s4;
	s4 =	sadd.s32 s0, s9;
	s9 =	simm.s32 $0x0  }
0x33: {  	[dreg:$0x1b] =	wrdreg s4;
	s4 =	sadd.s32 s11, s0;
	s11 =	simm.s32 $0x14280  }
0x34: {  	[dreg:$0x1c] =	wrdreg s4;
	s4 =	sadd.s32 s13, s0;
	s0 =	sadd.s32 s3, s0  }
0x35: {  	s3 =	simm.s32 $0x3;
	s13 =	simm.s32 $0xC;
	[dreg:$0x1d] =	wrdreg s4  }
0x36: {  	v0 =	vimm.f32 $0.0e+00;
	v1 =	vimm.f32 $1.000000000e+00;
	[dreg:$0x1f] =	wrdreg s0;
	s0 =	simm.s32 $0x9;
	s4 =	simm.s32 $0x1E480  }
.LBB2_1:
0x37: {  	s12 =	smov.u32 s22;
	s8 =	sand.u32 $0xFE00, s1  }
0x38: {  	[smem:$0x7F3] =	sst s9;
	s25 =	sand.u32 $0x70, s1;
	s26 =	sshrl.u32 s8, $0x2  }
0x39: {  	s8 =	simm.s32 $0x40;
	s26 =	sor.u32 s25, s26;
	s25 =	simm.s32 $0x0  }
.LBB2_2:
0x3a: {  	p0 =	sne.s32 s8, $0x9FC0  }
0x3b: {  	[tilespmem:s26+$0x1BA80] =	vst v0;
	s25 =	sadd.s32 $0x10, s25;
	s26 =	smov.u32 s8;
	s8 =	sadd.s32 $0x40, s8  }
.Ltmp0:
0x3c: {  	(pc) =	sbr.rel @p0 .LBB2_2-.Ltmp0, $4  }
0x3d: {  	_ = 	snop  }
0x3e: {  	s26 =	sand.u32 $0xFE00, s26  }
0x3f: {  	s28 =	sand.u32 $0x70, s25;
	s26 =	sshrl.u32 s26, $0x2  }
0x40: {  	s26 =	sor.u32 s28, s26  }
0x41: {  	[tilespmem:s26+$0x1BA80] =	vst v0  }
0x42: {  	[tilespmem:$0x1E500] =	vst v0  }
0x43: {  	[tilespmem:$0x1E510] =	vst v0  }
0x44: {  	[tilespmem:$0x1E520] =	vst v0  }
0x45: {  	[tilespmem:$0x1E530] =	vst v0  }
0x46: {  	[tilespmem:$0x1E540] =	vst v0  }
0x47: {  	[tilespmem:$0x1E550] =	vst v0  }
0x48: {  	[tilespmem:$0x1E560] =	vst v0  }
0x49: {  	[tilespmem:$0x1E570] =	vst v0  }
0x4a: {  	[tilespmem:$0x1E580] =	vst v0  }
0x4b: {  	[tilespmem:$0x1E590] =	vst v0  }
0x4c: {  	[tilespmem:$0x1E5A0] =	vst v0  }
0x4d: {  	[tilespmem:$0x1E5B0] =	vst v0  }
0x4e: {  	[tilespmem:$0x1E5C0] =	vst v0  }
0x4f: {  	[tilespmem:$0x1E5D0] =	vst v0  }
0x50: {  	[tilespmem:$0x1E5E0] =	vst v0  }
0x51: {  	[tilespmem:$0x1E5F0] =	vst v0  }
0x52: {  	[tilespmem:$0x1E600] =	vst v0  }
0x53: {  	[tilespmem:$0x1E610] =	vst v0  }
0x54: {  	[tilespmem:$0x1E620] =	vst v0  }
0x55: {  	[tilespmem:$0x1E630] =	vst v0  }
0x56: {  	[tilespmem:$0x1E640] =	vst v0  }
0x57: {  	[tilespmem:$0x1E650] =	vst v0  }
0x58: {  	[tilespmem:$0x1E660] =	vst v0  }
0x59: {  	[tilespmem:$0x1E670] =	vst v0  }
0x5a: {  	[tilespmem:$0x1E680] =	vst v0  }
0x5b: {  	[tilespmem:$0x1E690] =	vst v0  }
0x5c: {  	[tilespmem:$0x1E6A0] =	vst v0  }
0x5d: {  	[tilespmem:$0x1E6B0] =	vst v0  }
0x5e: {  	[tilespmem:$0x1E6C0] =	vst v0  }
0x5f: {  	[tilespmem:$0x1E6D0] =	vst v0  }
0x60: {  	[tilespmem:$0x1E6E0] =	vst v0  }
0x61: {  	[tilespmem:$0x1E6F0] =	vst v0  }
0x62: {  	[tilespmem:$0x1E700] =	vst v0  }
0x63: {  	[tilespmem:$0x1E710] =	vst v0  }
0x64: {  	[tilespmem:$0x1E720] =	vst v0  }
0x65: {  	[tilespmem:$0x1E730] =	vst v0  }
0x66: {  	[tilespmem:$0x1E740] =	vst v0  }
0x67: {  	[tilespmem:$0x1E750] =	vst v0  }
0x68: {  	[tilespmem:$0x1E760] =	vst v0  }
0x69: {  	[tilespmem:$0x1E770] =	vst v0  }
0x6a: {  	[tilespmem:$0x1E480] =	vst v1  }
0x6b: {  	[tilespmem:$0x1E490] =	vst v1  }
0x6c: {  	[tilespmem:$0x1E4A0] =	vst v1  }
0x6d: {  	[tilespmem:$0x1E4B0] =	vst v1  }
0x6e: {  	[tilespmem:$0x1E4C0] =	vst v1  }
0x6f: {  	s8 =	sld [smem:$0x7F5];
	[tilespmem:$0x1E780] =	vst v1  }
0x70: {  	[spmem:s29] =	stream.linear.scatter [tilespmem:s31], [sflag:$0x5], $0x2800, $0x38;
	[tilespmem:$0x1E800] =	vst v63  }
0x71: {  	s22 =	sld [smem:$0x7F6]  }
0x72: {  	[spmem:s8] =	stream.linear.scatter [tilespmem:s31], [sflag:$0x6], $0x2800, $0x38;
	[tilespmem:$0x1E800] =	vst v63  }
0x73: {  	s25 =	sld [smem:$0x7F7]  }
0x74: {  	[spmem:s22] =	stream.linear.scatter [tilespmem:s31], [sflag:$0x7], $0x2800, $0x38;
	[tilespmem:$0x1E800] =	vst v63  }
0x75: {  	s26 =	sld [smem:$0x7F8]  }
0x76: {  	[spmem:s25] =	stream.linear.scatter [tilespmem:s31], [sflag:$0x8], $0x2800, $0x38;
	[tilespmem:$0x1E800] =	vst v63  }
0x77: {  	s9 =	sld [smem:$0x7F9]  }
0x78: {  	[spmem:s26] =	stream.linear.scatter [tilespmem:s31], [sflag:$0x5], $0x2800, $0x38;
	[tilespmem:$0x1E800] =	vst v63  }
0x79: {  	s10 =	sld [smem:$0x7FA]  }
0x7a: {  	[spmem:s9] =	stream.linear.scatter [tilespmem:s31], [sflag:$0x6], $0x2800, $0x38;
	[tilespmem:$0x1E800] =	vst v63  }
0x7b: {  	s22 =	sld [smem:$0x7FB]  }
0x7c: {  	[spmem:s10] =	stream.linear.scatter [tilespmem:s31], [sflag:$0x7], $0x2800, $0x38;
	[tilespmem:$0x1E800] =	vst v63  }
0x7d: {  	_ = 	snop  }
0x7e: {  	[spmem:s22] =	stream.linear.scatter [tilespmem:s31], [sflag:$0x8], $0x2800, $0x38;
	[tilespmem:$0x1E800] =	vst v63  }
0x7f: {  	s25 =	simm.s32 $0x1E500  }
0x80: {  	[spmem:s30] =	stream.linear.scatter [tilespmem:s25], [sflag:$0x9], $0x280, $0x38;
	[tilespmem:$0x1E800] =	vst v63  }
0x81: {  	s8 =	simm.s32 $0x0;
	s9 =	rddreg [dreg:$0x8]  }
0x82: {  	[tilespmem:s11], [sflag:$0x1] =	stream.linear.gather [hbm4b:s9+s8], $0x2800, $0x38;
	[tilespmem:$0x1E800] =	vst v63  }
0x83: {  	s26 =	rddreg [dreg:$0x13]  }
0x84: {  	[tilespmem:s16], [sflag:$0x1] =	stream.linear.gather [hbm4b:s26+s8], $0x50, $0x38;
	[tilespmem:$0x1E800] =	vst v63  }
0x85: {  	s28 =	simm.s32 $0x16A80;
	s10 =	rddreg [dreg:$0x9]  }
0x86: {  	[tilespmem:s28], [sflag:$0x2] =	stream.linear.gather [hbm4b:s10+s8], $0x2800, $0x38;
	[tilespmem:$0x1E800] =	vst v63  }
0x87: {  	s22 =	rddreg [dreg:$0x14]  }
0x88: {  	[tilespmem:s17], [sflag:$0x2] =	stream.linear.gather [hbm4b:s22+s8], $0x50, $0x38;
	[tilespmem:$0x1E800] =	vst v63  }
0x89: {  	s25 =	rddreg [dreg:$0xa];
	s10 =	simm.s32 $0x19280  }
0x8a: {  	[tilespmem:s10], [sflag:$0x3] =	stream.linear.gather [hbm4b:s25+s8], $0x2800, $0x38;
	[tilespmem:$0x1E800] =	vst v63  }
0x8b: {  	s26 =	rddreg [dreg:$0x15];
	s22 =	simm.s32 $0x1E380  }
0x8c: {  	[tilespmem:s22], [sflag:$0x3] =	stream.linear.gather [hbm4b:s26+s8], $0x50, $0x38;
	[tilespmem:$0x1E800] =	vst v63  }
0x8d: {  	_ =	swait.ge [sflag:s14], $0x2800  }
0x8e: {  	[sflag:s14] =	ssyncset.done $0x0  }
0x8f: {  	[sflag:s14] =	ssyncadd.s32 $0xFFFFD800  }
0x90: {  	_ =	swait.ge [sflag:s19], $0x2800  }
0x91: {  	[sflag:s19] =	ssyncset.done $0x0  }
0x92: {  	[sflag:s19] =	ssyncadd.s32 $0xFFFFD800  }
0x93: {  	_ =	swait.ge [sflag:s20], $0x2800  }
0x94: {  	[sflag:s20] =	ssyncset.done $0x0  }
0x95: {  	[sflag:s20] =	ssyncadd.s32 $0xFFFFD800  }
0x96: {  	_ =	swait.ge [sflag:s21], $0x2800  }
0x97: {  	[sflag:s21] =	ssyncset.done $0x0  }
0x98: {  	[sflag:s21] =	ssyncadd.s32 $0xFFFFD800  }
0x99: {  	_ =	swait.ge [sflag:s14], $0x2800  }
0x9a: {  	[sflag:s14] =	ssyncset.done $0x0  }
0x9b: {  	[sflag:s14] =	ssyncadd.s32 $0xFFFFD800  }
0x9c: {  	_ =	swait.ge [sflag:s19], $0x2800  }
0x9d: {  	[sflag:s19] =	ssyncset.done $0x0  }
0x9e: {  	[sflag:s19] =	ssyncadd.s32 $0xFFFFD800  }
0x9f: {  	_ =	swait.ge [sflag:s20], $0x2800  }
0xa0: {  	[sflag:s20] =	ssyncset.done $0x0  }
0xa1: {  	[sflag:s20] =	ssyncadd.s32 $0xFFFFD800  }
0xa2: {  	_ =	swait.ge [sflag:s21], $0x2800  }
0xa3: {  	[sflag:s21] =	ssyncset.done $0x0  }
0xa4: {  	[sflag:s21] =	ssyncadd.s32 $0xFFFFD800  }
0xa5: {  	_ =	swait.ge [sflag:s0], $0x280  }
0xa6: {  	[sflag:s0] =	ssyncset.done $0x0  }
0xa7: {  	[sflag:s0] =	ssyncadd.s32 $0xFFFFFD80  }
0xa8: {  	[bflag:$0x0] =	sbarrier.arrive $0xFFFF  }
0xa9: {  	_ =	swait.ge [sflag:s23], $0x2800  }
0xaa: {  	[sflag:s23] =	ssyncset.done $0x0  }
0xab: {  	[sflag:s23] =	ssyncadd.s32 $0xFFFFD800  }
0xac: {  	_ =	swait.ge [sflag:s23], $0x50  }
0xad: {  	[sflag:s23] =	ssyncset.done $0x0  }
0xae: {  	[sflag:s23] =	ssyncadd.s32 $0xFFFFFFB0  }
0xaf: {  	[spmem:s15] =	stream.indirect.scatter.add.f32 [tilespmem:s11], [sflag:$0x5], $0x80, s16, s24, $0xb8;
	[tilespmem:$0x1E800] =	vst v63  }
0xb0: {  	_ = 	snop  }
0xb1: {  	[spmem:s12] =	stream.indirect.scatter.add.f32 [tilespmem:s4], [sflag:$0x9], $0x1, s16, s24, $0xb8;
	[tilespmem:$0x1E800] =	vst v63  }
0xb2: {  	s4 =	rddreg [dreg:$0xb]  }
0xb3: {  	[tilespmem:s31], [sflag:$0x4] =	stream.linear.gather [hbm4b:s4+s8], $0x2800, $0x38;
	[tilespmem:$0x1E800] =	vst v63  }
0xb4: {  	s25 =	rddreg [dreg:$0x16];
	s4 =	simm.s32 $0x1E400  }
0xb5: {  	[tilespmem:s4], [sflag:$0x4] =	stream.linear.gather [hbm4b:s25+s8], $0x50, $0x38;
	[tilespmem:$0x1E800] =	vst v63  }
0xb6: {  	_ =	swait.ge [sflag:s2], $0x2800  }
0xb7: {  	[sflag:s2] =	ssyncset.done $0x0  }
0xb8: {  	[sflag:s2] =	ssyncadd.s32 $0xFFFFD800  }
0xb9: {  	_ =	swait.ge [sflag:s2], $0x50  }
0xba: {  	[sflag:s2] =	ssyncset.done $0x0  }
0xbb: {  	[sflag:s2] =	ssyncadd.s32 $0xFFFFFFB0  }
0xbc: {  	[spmem:s15] =	stream.indirect.scatter.add.f32 [tilespmem:s28], [sflag:$0x6], $0x80, s17, s24, $0xb8;
	[tilespmem:$0x1E800] =	vst v63  }
0xbd: {  	_ = 	snop  }
0xbe: {  	[spmem:s12] =	stream.indirect.scatter.add.f32 [tilespmem:s18], [sflag:$0xA], $0x1, s17, s24, $0xb8;
	[tilespmem:$0x1E800] =	vst v63  }
0xbf: {  	_ =	swait.ge [sflag:s14], $0x2800  }
0xc0: {  	[sflag:s14] =	ssyncset.done $0x0  }
0xc1: {  	[sflag:s14] =	ssyncadd.s32 $0xFFFFD800  }
0xc2: {  	_ =	swait.ge [sflag:s0], $0x50  }
0xc3: {  	[sflag:s0] =	ssyncset.done $0x0  }
0xc4: {  	s26 =	rddreg [dreg:$0xc];
	[sflag:s0] =	ssyncadd.s32 $0xFFFFFFB0  }
0xc5: {  	[tilespmem:s11], [sflag:$0x1] =	stream.linear.gather [hbm4b:s26+s8], $0x2800, $0x38;
	[tilespmem:$0x1E800] =	vst v63  }
0xc6: {  	s25 =	rddreg [dreg:$0x17]  }
0xc7: {  	[tilespmem:s16], [sflag:$0x1] =	stream.linear.gather [hbm4b:s25+s8], $0x50, $0x38;
	[tilespmem:$0x1E800] =	vst v63  }
0xc8: {  	_ =	swait.ge [sflag:s3], $0x2800  }
0xc9: {  	[sflag:s3] =	ssyncset.done $0x0  }
0xca: {  	[sflag:s3] =	ssyncadd.s32 $0xFFFFD800  }
0xcb: {  	_ =	swait.ge [sflag:s3], $0x50  }
0xcc: {  	[sflag:s3] =	ssyncset.done $0x0  }
0xcd: {  	[sflag:s3] =	ssyncadd.s32 $0xFFFFFFB0  }
0xce: {  	[spmem:s15] =	stream.indirect.scatter.add.f32 [tilespmem:s10], [sflag:$0x7], $0x80, s22, s24, $0xb8;
	[tilespmem:$0x1E800] =	vst v63  }
0xcf: {  	_ = 	snop  }
0xd0: {  	[spmem:s12] =	stream.indirect.scatter.add.f32 [tilespmem:s18], [sflag:$0xB], $0x1, s22, s24, $0xb8;
	[tilespmem:$0x1E800] =	vst v63  }
0xd1: {  	_ =	swait.ge [sflag:s19], $0x2800  }
0xd2: {  	[sflag:s19] =	ssyncset.done $0x0  }
0xd3: {  	[sflag:s19] =	ssyncadd.s32 $0xFFFFD800  }
0xd4: {  	_ =	swait.ge [sflag:s6], $0x50  }
0xd5: {  	[sflag:s6] =	ssyncset.done $0x0  }
0xd6: {  	s26 =	rddreg [dreg:$0xd];
	[sflag:s6] =	ssyncadd.s32 $0xFFFFFFB0  }
0xd7: {  	[tilespmem:s28], [sflag:$0x2] =	stream.linear.gather [hbm4b:s26+s8], $0x2800, $0x38;
	[tilespmem:$0x1E800] =	vst v63  }
0xd8: {  	s25 =	rddreg [dreg:$0x18]  }
0xd9: {  	[tilespmem:s17], [sflag:$0x2] =	stream.linear.gather [hbm4b:s25+s8], $0x50, $0x38;
	[tilespmem:$0x1E800] =	vst v63  }
0xda: {  	_ =	swait.ge [sflag:s5], $0x2800  }
0xdb: {  	[sflag:s5] =	ssyncset.done $0x0  }
0xdc: {  	[sflag:s5] =	ssyncadd.s32 $0xFFFFD800  }
0xdd: {  	_ =	swait.ge [sflag:s5], $0x50  }
0xde: {  	[sflag:s5] =	ssyncset.done $0x0  }
0xdf: {  	[sflag:s5] =	ssyncadd.s32 $0xFFFFFFB0  }
0xe0: {  	[spmem:s15] =	stream.indirect.scatter.add.f32 [tilespmem:s31], [sflag:$0x8], $0x80, s4, s24, $0xb8;
	[tilespmem:$0x1E800] =	vst v63  }
0xe1: {  	_ = 	snop  }
0xe2: {  	[spmem:s12] =	stream.indirect.scatter.add.f32 [tilespmem:s18], [sflag:$0xC], $0x1, s4, s24, $0xb8;
	[tilespmem:$0x1E800] =	vst v63  }
0xe3: {  	_ =	swait.ge [sflag:s20], $0x2800  }
0xe4: {  	[sflag:s20] =	ssyncset.done $0x0  }
0xe5: {  	[sflag:s20] =	ssyncadd.s32 $0xFFFFD800  }
0xe6: {  	_ =	swait.ge [sflag:s7], $0x50  }
0xe7: {  	[sflag:s7] =	ssyncset.done $0x0  }
0xe8: {  	s26 =	rddreg [dreg:$0xe];
	[sflag:s7] =	ssyncadd.s32 $0xFFFFFFB0  }
0xe9: {  	[tilespmem:s10], [sflag:$0x3] =	stream.linear.gather [hbm4b:s26+s8], $0x2800, $0x38;
	[tilespmem:$0x1E800] =	vst v63  }
0xea: {  	s25 =	rddreg [dreg:$0x19]  }
0xeb: {  	[tilespmem:s22], [sflag:$0x3] =	stream.linear.gather [hbm4b:s25+s8], $0x50, $0x38;
	[tilespmem:$0x1E800] =	vst v63  }
0xec: {  	_ =	swait.ge [sflag:s23], $0x2800  }
0xed: {  	[sflag:s23] =	ssyncset.done $0x0  }
0xee: {  	[sflag:s23] =	ssyncadd.s32 $0xFFFFD800  }
0xef: {  	_ =	swait.ge [sflag:s23], $0x50  }
0xf0: {  	[sflag:s23] =	ssyncset.done $0x0  }
0xf1: {  	[sflag:s23] =	ssyncadd.s32 $0xFFFFFFB0  }
0xf2: {  	[spmem:s15] =	stream.indirect.scatter.add.f32 [tilespmem:s11], [sflag:$0x5], $0x80, s16, s24, $0xb8;
	[tilespmem:$0x1E800] =	vst v63  }
0xf3: {  	_ = 	snop  }
0xf4: {  	[spmem:s12] =	stream.indirect.scatter.add.f32 [tilespmem:s18], [sflag:$0x9], $0x1, s16, s24, $0xb8;
	[tilespmem:$0x1E800] =	vst v63  }
0xf5: {  	_ =	swait.ge [sflag:s21], $0x2800  }
0xf6: {  	[sflag:s21] =	ssyncset.done $0x0  }
0xf7: {  	[sflag:s21] =	ssyncadd.s32 $0xFFFFD800  }
0xf8: {  	_ =	swait.ge [sflag:s13], $0x50  }
0xf9: {  	s26 =	rddreg [dreg:$0x7]  }
0xfa: {  	[sflag:s13] =	ssyncset.done $0x0;
	s8 =	sadd.s32 $0x0, s26  }
0xfb: {  	[sflag:s13] =	ssyncadd.s32 $0xFFFFFFB0;
	s25 =	sadd.s32 $0x2300, s8  }
0xfc: {  	[tilespmem:s31], [sflag:$0x4] =	stream.linear.gather [hbm4b:s25+s1], $0x2800, $0x38;
	[tilespmem:$0x1E800] =	vst v63  }
0xfd: {  	s9 =	rddreg [dreg:$0x1f]  }
0xfe: {  	[tilespmem:s4], [sflag:$0x4] =	stream.linear.gather [hbm4b:s9+s1], $0x50, $0x38;
	[tilespmem:$0x1E800] =	vst v63  }
0xff: {  	_ =	swait.ge [sflag:s2], $0x2800  }
0x100: {  	[sflag:s2] =	ssyncset.done $0x0  }
0x101: {  	[sflag:s2] =	ssyncadd.s32 $0xFFFFD800  }
0x102: {  	_ =	swait.ge [sflag:s2], $0x50  }
0x103: {  	[sflag:s2] =	ssyncset.done $0x0  }
0x104: {  	[sflag:s2] =	ssyncadd.s32 $0xFFFFFFB0  }
0x105: {  	[spmem:s15] =	stream.indirect.scatter.add.f32 [tilespmem:s28], [sflag:$0x6], $0x80, s17, s24, $0xb8;
	[tilespmem:$0x1E800] =	vst v63  }
0x106: {  	_ = 	snop  }
0x107: {  	[spmem:s12] =	stream.indirect.scatter.add.f32 [tilespmem:s18], [sflag:$0xA], $0x1, s17, s24, $0xb8;
	[tilespmem:$0x1E800] =	vst v63  }
0x108: {  	_ =	swait.ge [sflag:s14], $0x2800  }
0x109: {  	[sflag:s14] =	ssyncset.done $0x0  }
0x10a: {  	[sflag:s14] =	ssyncadd.s32 $0xFFFFD800  }
0x10b: {  	_ =	swait.ge [sflag:s0], $0x50  }
0x10c: {  	[sflag:s0] =	ssyncset.done $0x0  }
0x10d: {  	s13 =	sadd.s32 $0x2800, s8;
	[sflag:s0] =	ssyncadd.s32 $0xFFFFFFB0  }
0x10e: {  	[tilespmem:s11], [sflag:$0x1] =	stream.linear.gather [hbm4b:s13+s1], $0x2800, $0x38;
	[tilespmem:$0x1E800] =	vst v63  }
0x10f: {  	s21 =	rddreg [dreg:$0x1e]  }
0x110: {  	[tilespmem:s16], [sflag:$0x1] =	stream.linear.gather [hbm4b:s21+s1], $0x50, $0x38;
	[tilespmem:$0x1E800] =	vst v63  }
0x111: {  	_ =	swait.ge [sflag:s3], $0x2800  }
0x112: {  	[sflag:s3] =	ssyncset.done $0x0  }
0x113: {  	[sflag:s3] =	ssyncadd.s32 $0xFFFFD800  }
0x114: {  	_ =	swait.ge [sflag:s3], $0x50  }
0x115: {  	[sflag:s3] =	ssyncset.done $0x0  }
0x116: {  	[sflag:s3] =	ssyncadd.s32 $0xFFFFFFB0  }
0x117: {  	[spmem:s15] =	stream.indirect.scatter.add.f32 [tilespmem:s10], [sflag:$0x7], $0x80, s22, s24, $0xb8;
	[tilespmem:$0x1E800] =	vst v63  }
0x118: {  	_ = 	snop  }
0x119: {  	[spmem:s12] =	stream.indirect.scatter.add.f32 [tilespmem:s18], [sflag:$0xB], $0x1, s22, s24, $0xb8;
	[tilespmem:$0x1E800] =	vst v63  }
0x11a: {  	_ =	swait.ge [sflag:s19], $0x2800  }
0x11b: {  	[sflag:s19] =	ssyncset.done $0x0  }
0x11c: {  	[sflag:s19] =	ssyncadd.s32 $0xFFFFD800  }
0x11d: {  	_ =	swait.ge [sflag:s6], $0x50  }
0x11e: {  	[sflag:s6] =	ssyncset.done $0x0  }
0x11f: {  	s22 =	sadd.s32 $0x2D00, s8;
	[sflag:s6] =	ssyncadd.s32 $0xFFFFFFB0  }
0x120: {  	[tilespmem:s28], [sflag:$0x2] =	stream.linear.gather [hbm4b:s22+s1], $0x2800, $0x38;
	[tilespmem:$0x1E800] =	vst v63  }
0x121: {  	s25 =	rddreg [dreg:$0x1d]  }
0x122: {  	[tilespmem:s17], [sflag:$0x2] =	stream.linear.gather [hbm4b:s25+s1], $0x50, $0x38;
	[tilespmem:$0x1E800] =	vst v63  }
0x123: {  	_ =	swait.ge [sflag:s5], $0x2800  }
0x124: {  	[sflag:s5] =	ssyncset.done $0x0  }
0x125: {  	[sflag:s5] =	ssyncadd.s32 $0xFFFFD800  }
0x126: {  	_ =	swait.ge [sflag:s5], $0x50  }
0x127: {  	[sflag:s5] =	ssyncset.done $0x0  }
0x128: {  	[sflag:s5] =	ssyncadd.s32 $0xFFFFFFB0  }
0x129: {  	[spmem:s15] =	stream.indirect.scatter.add.f32 [tilespmem:s31], [sflag:$0x8], $0x80, s4, s24, $0xb8;
	[tilespmem:$0x1E800] =	vst v63  }
0x12a: {  	_ = 	snop  }
0x12b: {  	[spmem:s12] =	stream.indirect.scatter.add.f32 [tilespmem:s18], [sflag:$0xC], $0x1, s4, s24, $0xb8;
	[tilespmem:$0x1E800] =	vst v63  }
0x12c: {  	s29 =	sadd.s32 $0x28, s9;
	_ =	swait.ge [sflag:s20], $0x2800  }
0x12d: {  	s0 =	simm.s32 $0x9;
	s11 =	simm.s32 $0x1BA80;
	[sflag:s20] =	ssyncset.done $0x0  }
0x12e: {  	s13 =	simm.s32 $0xC;
	s16 =	simm.s32 $0x14280;
	[sflag:s20] =	ssyncadd.s32 $0xFFFFD800  }
0x12f: {  	s8 =	sadd.s32 $0x3200, s8;
	s30 =	sadd.s32 $0x28, s25;
	_ =	swait.ge [sflag:s7], $0x50  }
0x130: {  	s28 =	simm.s32 $0x1400;
	s22 =	simm.s32 $0x8;
	[sflag:s7] =	ssyncset.done $0x0  }
0x131: {  	s25 =	sadd.s32 $0x28, s21;
	s26 =	rddreg [dreg:$0x1c];
	[sflag:s7] =	ssyncadd.s32 $0xFFFFFFB0  }
0x132: {  	[tilespmem:s10], [sflag:$0x3] =	stream.linear.gather [hbm4b:s8+s1], $0x2800, $0x38;
	[tilespmem:$0x1E800] =	vst v63  }
0x133: {  	s21 =	simm.s32 $0x6;
	s31 =	sadd.s32 $0x28, s26;
	s10 =	simm.s32 $0x1E280  }
.LBB2_4:
0x134: {  	s19 =	simm.s32 $0x1E380  }
0x135: {  	[tilespmem:s19], [sflag:$0x3] =	stream.linear.gather [hbm4b:s26+s1], $0x50, $0x38;
	[tilespmem:$0x1E800] =	vst v63  }
0x136: {  	_ =	swait.ge [sflag:s23], $0x2800  }
0x137: {  	[sflag:s23] =	ssyncset.done $0x0  }
0x138: {  	[sflag:s23] =	ssyncadd.s32 $0xFFFFD800  }
0x139: {  	_ =	swait.ge [sflag:s23], $0x50  }
0x13a: {  	[sflag:s23] =	ssyncset.done $0x0  }
0x13b: {  	[sflag:s23] =	ssyncadd.s32 $0xFFFFFFB0  }
0x13c: {  	[spmem:s15] =	stream.indirect.scatter.add.f32 [tilespmem:s16], [sflag:$0x5], $0x80, s10, s24, $0xb8;
	[tilespmem:$0x1E800] =	vst v63  }
0x13d: {  	_ = 	snop  }
0x13e: {  	[spmem:s12] =	stream.indirect.scatter.add.f32 [tilespmem:s18], [sflag:$0x9], $0x1, s10, s24, $0xb8;
	[tilespmem:$0x1E800] =	vst v63  }
0x13f: {  	_ =	swait.ge [sflag:s22], $0x2800  }
0x140: {  	[sflag:s22] =	ssyncset.done $0x0  }
0x141: {  	[sflag:s22] =	ssyncadd.s32 $0xFFFFD800  }
0x142: {  	_ =	swait.ge [sflag:s13], $0x50  }
0x143: {  	s8 =	smov.u32 s28;
	s9 =	rddreg [dreg:$0x7]  }
0x144: {  	[sflag:s13] =	ssyncset.done $0x0;
	s8 =	sadd.s32 s8, s9  }
0x145: {  	[sflag:s13] =	ssyncadd.s32 $0xFFFFFFB0;
	s9 =	sadd.s32 $0x2300, s8  }
0x146: {  	[tilespmem:s11], [sflag:$0x4] =	stream.linear.gather [hbm4b:s9+s1], $0x2800, $0x38;
	[tilespmem:$0x1E800] =	vst v63  }
0x147: {  	_ = 	snop  }
0x148: {  	[tilespmem:s4], [sflag:$0x4] =	stream.linear.gather [hbm4b:s29+s1], $0x50, $0x38;
	[tilespmem:$0x1E800] =	vst v63  }
0x149: {  	_ =	swait.ge [sflag:s2], $0x2800  }
0x14a: {  	[sflag:s2] =	ssyncset.done $0x0  }
0x14b: {  	[sflag:s2] =	ssyncadd.s32 $0xFFFFD800  }
0x14c: {  	_ =	swait.ge [sflag:s2], $0x50  }
0x14d: {  	[sflag:s2] =	ssyncset.done $0x0  }
0x14e: {  	s20 =	simm.s32 $0x16A80;
	[sflag:s2] =	ssyncadd.s32 $0xFFFFFFB0  }
0x14f: {  	[spmem:s15] =	stream.indirect.scatter.add.f32 [tilespmem:s20], [sflag:$0x6], $0x80, s17, s24, $0xb8;
	[tilespmem:$0x1E800] =	vst v63  }
0x150: {  	_ = 	snop  }
0x151: {  	[spmem:s12] =	stream.indirect.scatter.add.f32 [tilespmem:s18], [sflag:$0xA], $0x1, s17, s24, $0xb8;
	[tilespmem:$0x1E800] =	vst v63  }
0x152: {  	_ =	swait.ge [sflag:s14], $0x2800  }
0x153: {  	[sflag:s14] =	ssyncset.done $0x0  }
0x154: {  	[sflag:s14] =	ssyncadd.s32 $0xFFFFD800  }
0x155: {  	_ =	swait.ge [sflag:s0], $0x50  }
0x156: {  	[sflag:s0] =	ssyncset.done $0x0  }
0x157: {  	s14 =	sadd.s32 $0x2800, s8;
	[sflag:s0] =	ssyncadd.s32 $0xFFFFFFB0  }
0x158: {  	[tilespmem:s16], [sflag:$0x1] =	stream.linear.gather [hbm4b:s14+s1], $0x2800, $0x38;
	[tilespmem:$0x1E800] =	vst v63  }
0x159: {  	_ = 	snop  }
0x15a: {  	[tilespmem:s10], [sflag:$0x1] =	stream.linear.gather [hbm4b:s25+s1], $0x50, $0x38;
	[tilespmem:$0x1E800] =	vst v63  }
0x15b: {  	_ =	swait.ge [sflag:s3], $0x2800  }
0x15c: {  	[sflag:s3] =	ssyncset.done $0x0  }
0x15d: {  	[sflag:s3] =	ssyncadd.s32 $0xFFFFD800  }
0x15e: {  	_ =	swait.ge [sflag:s3], $0x50  }
0x15f: {  	[sflag:s3] =	ssyncset.done $0x0  }
0x160: {  	s14 =	simm.s32 $0x19280;
	[sflag:s3] =	ssyncadd.s32 $0xFFFFFFB0  }
0x161: {  	[spmem:s15] =	stream.indirect.scatter.add.f32 [tilespmem:s14], [sflag:$0x7], $0x80, s19, s24, $0xb8;
	[tilespmem:$0x1E800] =	vst v63  }
0x162: {  	_ = 	snop  }
0x163: {  	[spmem:s12] =	stream.indirect.scatter.add.f32 [tilespmem:s18], [sflag:$0xB], $0x1, s19, s24, $0xb8;
	[tilespmem:$0x1E800] =	vst v63  }
0x164: {  	_ =	swait.ge [sflag:s21], $0x2800  }
0x165: {  	[sflag:s21] =	ssyncset.done $0x0  }
0x166: {  	[sflag:s21] =	ssyncadd.s32 $0xFFFFD800  }
0x167: {  	_ =	swait.ge [sflag:s6], $0x50  }
0x168: {  	[sflag:s6] =	ssyncset.done $0x0  }
0x169: {  	s9 =	sadd.s32 $0x2D00, s8;
	[sflag:s6] =	ssyncadd.s32 $0xFFFFFFB0  }
0x16a: {  	[tilespmem:s20], [sflag:$0x2] =	stream.linear.gather [hbm4b:s9+s1], $0x2800, $0x38;
	[tilespmem:$0x1E800] =	vst v63  }
0x16b: {  	_ = 	snop  }
0x16c: {  	[tilespmem:s17], [sflag:$0x2] =	stream.linear.gather [hbm4b:s30+s1], $0x50, $0x38;
	[tilespmem:$0x1E800] =	vst v63  }
0x16d: {  	_ =	swait.ge [sflag:s5], $0x2800  }
0x16e: {  	[sflag:s5] =	ssyncset.done $0x0  }
0x16f: {  	[sflag:s5] =	ssyncadd.s32 $0xFFFFD800  }
0x170: {  	_ =	swait.ge [sflag:s5], $0x50  }
0x171: {  	[sflag:s5] =	ssyncset.done $0x0  }
0x172: {  	[sflag:s5] =	ssyncadd.s32 $0xFFFFFFB0  }
0x173: {  	[spmem:s15] =	stream.indirect.scatter.add.f32 [tilespmem:s11], [sflag:$0x8], $0x80, s4, s24, $0xb8;
	[tilespmem:$0x1E800] =	vst v63  }
0x174: {  	s20 =	simm.s32 $0x7  }
0x175: {  	[spmem:s12] =	stream.indirect.scatter.add.f32 [tilespmem:s18], [sflag:$0xC], $0x1, s4, s24, $0xb8;
	[tilespmem:$0x1E800] =	vst v63  }
0x176: {  	_ =	swait.ge [sflag:s20], $0x2800  }
0x177: {  	p0 =	sne.s32 s28, $0x23000;
	[sflag:s20] =	ssyncset.done $0x0  }
0x178: {  	s28 =	sadd.s32 $0x1400, s28;
	s26 =	smov.u32 s31;
	[sflag:s20] =	ssyncadd.s32 $0xFFFFD800  }
.Ltmp1:
0x179: {  	s31 =	sadd.s32 $0x28, s31;
	_ =	swait.ge [sflag:s7], $0x50;
	(pc) =	sbr.rel @p0 .LBB2_4-.Ltmp1, $4  }
0x17a: {  	s29 =	sadd.s32 $0x28, s29;
	s8 =	sadd.s32 $0x3200, s8;
	[sflag:s7] =	ssyncset.done $0x0  }
0x17b: {  	s25 =	sadd.s32 $0x28, s25;
	s19 =	simm.s32 $0x16A80;
	[sflag:s7] =	ssyncadd.s32 $0xFFFFFFB0  }
0x17c: {  	[tilespmem:s14], [sflag:$0x3] =	stream.linear.gather [hbm4b:s8+s1], $0x2800, $0x38;
	[tilespmem:$0x1E800] =	vst v63  }
0x17d: {  	s9 =	simm.s32 $0x19280;
	s30 =	sadd.s32 $0x28, s30;
	s14 =	simm.s32 $0x5  }
0x17e: {  	s25 =	simm.s32 $0x1E380  }
0x17f: {  	[tilespmem:s25], [sflag:$0x3] =	stream.linear.gather [hbm4b:s26+s1], $0x50, $0x38;
	[tilespmem:$0x1E800] =	vst v63  }
0x180: {  	_ =	swait.ge [sflag:s23], $0x2800  }
0x181: {  	[sflag:s23] =	ssyncset.done $0x0  }
0x182: {  	[sflag:s23] =	ssyncadd.s32 $0xFFFFD800  }
0x183: {  	_ =	swait.ge [sflag:s23], $0x50  }
0x184: {  	[sflag:s23] =	ssyncset.done $0x0  }
0x185: {  	[sflag:s23] =	ssyncadd.s32 $0xFFFFFFB0  }
0x186: {  	[spmem:s15] =	stream.indirect.scatter.add.f32 [tilespmem:s16], [sflag:$0x5], $0x80, s10, s24, $0xb8;
	[tilespmem:$0x1E800] =	vst v63  }
0x187: {  	_ = 	snop  }
0x188: {  	[spmem:s12] =	stream.indirect.scatter.add.f32 [tilespmem:s18], [sflag:$0x9], $0x1, s10, s24, $0xb8;
	[tilespmem:$0x1E800] =	vst v63  }
0x189: {  	_ =	swait.ge [sflag:s22], $0x2800  }
0x18a: {  	[sflag:s22] =	ssyncset.done $0x0  }
0x18b: {  	[sflag:s22] =	ssyncadd.s32 $0xFFFFD800  }
0x18c: {  	_ =	swait.ge [sflag:s13], $0x50  }
0x18d: {  	[sflag:s13] =	ssyncset.done $0x0  }
0x18e: {  	s8 =	rddreg [dreg:$0xf];
	[sflag:s13] =	ssyncadd.s32 $0xFFFFFFB0  }
0x18f: {  	[tilespmem:s11], [sflag:$0x4] =	stream.linear.gather [hbm4b:s8+s1], $0x2800, $0x38;
	[tilespmem:$0x1E800] =	vst v63  }
0x190: {  	s28 =	rddreg [dreg:$0x1a]  }
0x191: {  	[tilespmem:s4], [sflag:$0x4] =	stream.linear.gather [hbm4b:s28+s1], $0x50, $0x38;
	[tilespmem:$0x1E800] =	vst v63  }
0x192: {  	_ =	swait.ge [sflag:s2], $0x2800  }
0x193: {  	[sflag:s2] =	ssyncset.done $0x0  }
0x194: {  	[sflag:s2] =	ssyncadd.s32 $0xFFFFD800  }
0x195: {  	_ =	swait.ge [sflag:s2], $0x50  }
0x196: {  	[sflag:s2] =	ssyncset.done $0x0  }
0x197: {  	[sflag:s2] =	ssyncadd.s32 $0xFFFFFFB0  }
0x198: {  	[spmem:s15] =	stream.indirect.scatter.add.f32 [tilespmem:s19], [sflag:$0x6], $0x80, s17, s24, $0xb8;
	[tilespmem:$0x1E800] =	vst v63  }
0x199: {  	_ = 	snop  }
0x19a: {  	[spmem:s12] =	stream.indirect.scatter.add.f32 [tilespmem:s18], [sflag:$0xA], $0x1, s17, s24, $0xb8;
	[tilespmem:$0x1E800] =	vst v63  }
0x19b: {  	_ =	swait.ge [sflag:s14], $0x2800  }
0x19c: {  	[sflag:s14] =	ssyncset.done $0x0  }
0x19d: {  	[sflag:s14] =	ssyncadd.s32 $0xFFFFD800  }
0x19e: {  	_ =	swait.ge [sflag:s0], $0x50  }
0x19f: {  	[sflag:s0] =	ssyncset.done $0x0  }
0x1a0: {  	s26 =	rddreg [dreg:$0x12];
	[sflag:s0] =	ssyncadd.s32 $0xFFFFFFB0  }
0x1a1: {  	[tilespmem:s16], [sflag:$0x1] =	stream.linear.gather [hbm4b:s26+s1], $0x2800, $0x38;
	[tilespmem:$0x1E800] =	vst v63  }
0x1a2: {  	s28 =	rddreg [dreg:$0x1b]  }
0x1a3: {  	[tilespmem:s10], [sflag:$0x1] =	stream.linear.gather [hbm4b:s28+s1], $0x50, $0x38;
	[tilespmem:$0x1E800] =	vst v63  }
0x1a4: {  	_ =	swait.ge [sflag:s3], $0x2800  }
0x1a5: {  	[sflag:s3] =	ssyncset.done $0x0  }
0x1a6: {  	[sflag:s3] =	ssyncadd.s32 $0xFFFFD800  }
0x1a7: {  	_ =	swait.ge [sflag:s3], $0x50  }
0x1a8: {  	[sflag:s3] =	ssyncset.done $0x0  }
0x1a9: {  	[sflag:s3] =	ssyncadd.s32 $0xFFFFFFB0  }
0x1aa: {  	[spmem:s15] =	stream.indirect.scatter.add.f32 [tilespmem:s9], [sflag:$0x7], $0x80, s25, s24, $0xb8;
	[tilespmem:$0x1E800] =	vst v63  }
0x1ab: {  	_ = 	snop  }
0x1ac: {  	[spmem:s12] =	stream.indirect.scatter.add.f32 [tilespmem:s18], [sflag:$0xB], $0x1, s25, s24, $0xb8;
	[tilespmem:$0x1E800] =	vst v63  }
0x1ad: {  	_ =	swait.ge [sflag:s21], $0x2800  }
0x1ae: {  	[sflag:s21] =	ssyncset.done $0x0  }
0x1af: {  	[sflag:s21] =	ssyncadd.s32 $0xFFFFD800  }
0x1b0: {  	_ =	swait.ge [sflag:s6], $0x50  }
0x1b1: {  	[sflag:s6] =	ssyncset.done $0x0  }
0x1b2: {  	[sflag:s6] =	ssyncadd.s32 $0xFFFFFFB0  }
0x1b3: {  	_ =	swait.ge [sflag:s5], $0x2800  }
0x1b4: {  	[sflag:s5] =	ssyncset.done $0x0  }
0x1b5: {  	[sflag:s5] =	ssyncadd.s32 $0xFFFFD800  }
0x1b6: {  	_ =	swait.ge [sflag:s5], $0x50  }
0x1b7: {  	[sflag:s5] =	ssyncset.done $0x0  }
0x1b8: {  	[sflag:s5] =	ssyncadd.s32 $0xFFFFFFB0  }
0x1b9: {  	[spmem:s15] =	stream.indirect.scatter.add.f32 [tilespmem:s11], [sflag:$0x8], $0x80, s4, s24, $0xb8;
	[tilespmem:$0x1E800] =	vst v63  }
0x1ba: {  	_ = 	snop  }
0x1bb: {  	[spmem:s12] =	stream.indirect.scatter.add.f32 [tilespmem:s18], [sflag:$0xC], $0x1, s4, s24, $0xb8;
	[tilespmem:$0x1E800] =	vst v63  }
0x1bc: {  	_ =	swait.ge [sflag:s20], $0x2800  }
0x1bd: {  	[sflag:s20] =	ssyncset.done $0x0  }
0x1be: {  	[sflag:s20] =	ssyncadd.s32 $0xFFFFD800  }
0x1bf: {  	_ =	swait.ge [sflag:s7], $0x50  }
0x1c0: {  	[sflag:s7] =	ssyncset.done $0x0  }
0x1c1: {  	[sflag:s7] =	ssyncadd.s32 $0xFFFFFFB0  }
0x1c2: {  	_ =	swait.ge [sflag:s23], $0x2800  }
0x1c3: {  	[sflag:s23] =	ssyncset.done $0x0  }
0x1c4: {  	[sflag:s23] =	ssyncadd.s32 $0xFFFFD800  }
0x1c5: {  	_ =	swait.ge [sflag:s23], $0x50  }
0x1c6: {  	[sflag:s23] =	ssyncset.done $0x0  }
0x1c7: {  	[sflag:s23] =	ssyncadd.s32 $0xFFFFFFB0  }
0x1c8: {  	[spmem:s15] =	stream.indirect.scatter.add.f32 [tilespmem:s16], [sflag:$0x5], $0x80, s10, s24, $0xb8;
	[tilespmem:$0x1E800] =	vst v63  }
0x1c9: {  	_ = 	snop  }
0x1ca: {  	[spmem:s12] =	stream.indirect.scatter.add.f32 [tilespmem:s18], [sflag:$0x9], $0x1, s10, s24, $0xb8;
	[tilespmem:$0x1E800] =	vst v63  }
0x1cb: {  	_ =	swait.ge [sflag:s22], $0x2800  }
0x1cc: {  	[sflag:s22] =	ssyncset.done $0x0  }
0x1cd: {  	[sflag:s22] =	ssyncadd.s32 $0xFFFFD800  }
0x1ce: {  	_ =	swait.ge [sflag:s13], $0x50  }
0x1cf: {  	[sflag:s13] =	ssyncset.done $0x0  }
0x1d0: {  	[sflag:s13] =	ssyncadd.s32 $0xFFFFFFB0  }
0x1d1: {  	_ =	swait.ge [sflag:s14], $0x2800  }
0x1d2: {  	[sflag:s14] =	ssyncset.done $0x0  }
0x1d3: {  	[sflag:s14] =	ssyncadd.s32 $0xFFFFD800  }
0x1d4: {  	_ =	swait.ge [sflag:s0], $0x50  }
0x1d5: {  	[sflag:s0] =	ssyncset.done $0x0  }
0x1d6: {  	[sflag:s0] =	ssyncadd.s32 $0xFFFFFFB0  }
0x1d7: {  	[bflag:$0x0] =	sbarrier.arrive $0xFFFF  }
0x1d8: {  	s9 =	stileid.u32;
	s29 =	sld [smem:$0x7FC]  }
0x1d9: {  	s8 =	sshll.u32 s9, $0x6  }
0x1da: {  	s8 =	sor.u32 $0x1C0D, s8  }
0x1db: {  	s13 =	simm.s32 $0xD;
	s11 =	rddreg [dreg:$0x10];
	s10 =	sshrl.u32 s29, $0x3  }
0x1dc: {  	[hbm:s11], [sflag:s8] =	dma.local [spmem:s10], $0x2800  }
0x1dd: {  	_ =	swait.ge [sflag:s13], $0x2800  }
0x1de: {  	s30 =	sld [smem:$0x7FD];
	_ =	sdelay $0x1  }
0x1df: {  	s21 =	simm.s32 $0x20;
	s22 =	simm.s32 $0x10;
	[sflag:s13] =	ssyncset.done $0x0  }
0x1e0: {  	s19 =	rddreg [dreg:$0x11];
	[sflag:s13] =	ssyncadd.s32 $0xFFFFD800;
	s16 =	sshrl.u32 s30, $0x3  }
0x1e1: {  	[hbm:s19@s21], [sflag:s8] =	dma.strided [spmem:s16@s22], $0x50, s23, $0x10   }
0x1e2: {  	_ =	swait.ge [sflag:s13], $0x50  }
0x1e3: {  	s26 =	sld [smem:$0x7F3]  }
0x1e4: {  	s28 =	sld [smem:$0x7F4];
	_ =	sdelay $0x1  }
0x1e5: {  	s9 =	sadd.s32 $0x1, s26  }
0x1e6: {  	p0 =	sne.s32 s9, s28  }
.Ltmp2:
0x1e7: {  	_ = 	snop;
	(pc) =	sbr.rel @p0 .LBB2_1-.Ltmp2, $4  }
0x1e8: {  	s31 =	simm.s32 $0x1BA80;
	s4 =	simm.s32 $0x1E480  }
0x1e9: {  	s0 =	simm.s32 $0x9;
	s11 =	simm.s32 $0x14280;
	s16 =	simm.s32 $0x1E280  }
0x1ea: {  	s19 =	simm.s32 $0x6;
	s21 =	simm.s32 $0x8;
	[sflag:s13] =	ssyncset.done $0x0  }
0x1eb: {  	s22 =	smov.u32 s12;
	[sflag:s13] =	ssyncadd.s32 $0xFFFFFFB0;
	s13 =	simm.s32 $0xC  }
0x1ec: {  	_ =	sfence.sel $0x180000  }
0x1ed: {  	[bflag:$0x0] =	sbarrier.arrive $0xFFFF  }
0x1ee: {  	_ =	strace $0x90000047  }
0x1ef: {  	s0 =	stileid.u32;
	[bflag:$0x2] =	sbarrier.arrive $0xFFFF  }
0x1f0: {  	p0 =	sne.s32 s0, $0x0;
	s0 =	rddreg [dreg:$0x6]  }
0x1f1: {  	s0 =	sadd.s32 @!p0 $0x100000, s0  }
0x1f2: {  	[sflag:s0] =	ssyncadd.tile.s32 @!p0 $0x1;
	_ =	shalt  }
.Lfunc_end2:
_tile_overlayer_lowered:
.L_overlay_start_2:
0x1f3: {  	(tag) =	ssettag $0x2  }
0x1f4: {  	s0 =	rddreg [dreg:$0x0];
	s2 =	stileid.u32  }
0x1f5: {  	s1 =	rddreg [dreg:$0x1];
	p0 =	sne.s32 s2, $0x0  }
0x1f6: {  	s3 =	rddreg [dreg:$0x2];
	[bflag:$0x3] =	sbarrier.arrive $0xFFFF;
	s2 =	simm.s32 @!p0 $0x1C0D  }
0x1f7: {  	[timem:s3], [sflag:s2] =	dma.local @!p0 [hbm:s0], s1  }
0x1f8: {  	s0 =	simm.s32 @!p0 $0xD  }
0x1f9: {  	_ =	swait.ge @!p0 [sflag:s0], s1  }
0x1fa: {  	s1 =	ssub.s32 @!p0 $0x0, s1;
	[sflag:s0] =	ssyncset.done @!p0 $0x0  }
0x1fb: {  	[sflag:s0] =	ssyncadd.s32 @!p0 s1  }
0x1fc: {  	[bflag:$0x3] =	sbarrier.arrive $0xFFFF  }
0x1fd: {  	_ =	shalt  }

</sc_bundles>
